<compile_context>
chip_gen: v7x
topology: tpu7x:2x2x1
jax: 0.10.2.dev20260603
libtpu: 0.0.44.dev20260713+nightly
codegen_flags: <defaults>
</compile_context>

<pallas_src>
import functools

import jax
import jax.numpy as jnp
from jax import lax
from jax.experimental import pallas as pl
from jax.experimental.pallas import tpu as pltpu
from jax.experimental.pallas import tpu_sc as plsc

_B, _H, _W = 16, 384, 384
_POS_WEIGHT = 2.0
_ROWS = _B * _H
_NC, _NS, _L = 2, 16, 16
_NW = _NC * _NS

_K = 4
_TC_IMGS = _B - _K
_TC_ROWS = _TC_IMGS * _H
_TROWS = _K * _H // _NW
_CROWS = 24
_NCHUNK = _TROWS // _CROWS
_CVECS = _CROWS * _W // _L

_IPB = 2
_BR = _IPB * _H
_TC_GRID = _TC_ROWS // _BR

_C0 = 0.99988787
_C1 = -0.49636774
_C2 = 0.30467086
_C3 = -0.15602694
_C4 = 0.04106407

_mesh = plsc.VectorSubcoreMesh(
    core_axis_name="c", subcore_axis_name="s", num_cores=_NC)


@functools.partial(
    pl.kernel,
    mesh=_mesh,
    out_type=jax.ShapeDtypeStruct((2, _NW, _L), jnp.float32),
    scratch_types=[
        pltpu.VMEM((2, _CROWS, _W), jnp.float32),
        pltpu.VMEM((2, _CROWS, _W), jnp.float32),
        pltpu.VMEM((2, _CROWS, _W), jnp.float32),
        pltpu.VMEM((_L,), jnp.int32),
        pltpu.VMEM((_L,), jnp.float32),
        pltpu.SemaphoreType.DMA,
        pltpu.SemaphoreType.DMA,
        pltpu.SemaphoreType.DMA,
        pltpu.SemaphoreType.DMA,
        pltpu.SemaphoreType.DMA,
        pltpu.SemaphoreType.DMA,
    ],
)
def _sc_partial(x_hbm, p_hbm, n_hbm, lbl_hbm, out_hbm, xb, pb, nb, lbv, av,
                sx0, sp0, sn0, sx1, sp1, sn1):
    wid = lax.axis_index("c") * _NS + lax.axis_index("s")
    base = _TC_ROWS + wid * _TROWS
    pltpu.sync_copy(lbl_hbm, lbv)
    lbl = lbv[...]
    sems = ((sx0, sp0, sn0), (sx1, sp1, sn1))

    def issue(ci, b):
        sl = pl.ds(base + ci * _CROWS, _CROWS)
        return (
            pltpu.async_copy(x_hbm.at[sl, :], xb.at[b], sems[b][0]),
            pltpu.async_copy(p_hbm.at[sl, :], pb.at[b], sems[b][1]),
            pltpu.async_copy(n_hbm.at[sl, :], nb.at[b], sems[b][2]),
        )

    def compute(ci, b, carry):
        img = (base + ci * _CROWS) // _H
        iv = jnp.full((_L,), img, jnp.int32)
        lv = lbl.at[iv].get(mode="promise_in_bounds")
        is_pos = lv == 1
        sgn = jnp.where(is_pos, -1.0, 1.0)
        wgt = jnp.where(is_pos, _POS_WEIGHT, 1.0)

        def inner(i, c2):
            acc2, cnt2 = c2
            r = i // (_W // _L)
            sl = pl.ds((i % (_W // _L)) * _L, _L)
            x = xb[b, r, sl]
            p = pb[b, r, sl]
            n = nb[b, r, sl]
            t = x * sgn
            a = jnp.abs(t)
            rl = jnp.maximum(t, 0.0)
            u = jnp.exp(-a)
            poly = _C4
            for c in (_C3, _C2, _C1, _C0):
                poly = poly * u + c
            sp = rl + poly * u
            m = jnp.minimum(p, n) > 0.5
            acc2 = acc2 + jnp.where(m, sp, 0.0)
            cnt2 = cnt2 + jnp.where(m, 1.0, 0.0)
            return acc2, cnt2

        zero = jnp.zeros((_L,), jnp.float32)
        ca, cc = lax.fori_loop(0, _CVECS, inner, (zero, zero))
        acc, cnt = carry
        return acc + ca * wgt, cnt + cc

    zero = jnp.zeros((_L,), jnp.float32)
    acc, cnt = zero, zero
    pend = issue(0, 0)
    for ci in range(_NCHUNK):
        b = ci % 2
        nxt = issue(ci + 1, 1 - b) if ci + 1 < _NCHUNK else None
        for h in pend:
            h.wait()
        acc, cnt = compute(ci, b, (acc, cnt))
        pend = nxt
    av[...] = acc
    pltpu.sync_copy(av, out_hbm.at[0, wid])
    av[...] = cnt
    pltpu.sync_copy(av, out_hbm.at[1, wid])


def _tc_body(lbl_ref, x_ref, p_ref, n_ref, os_ref, oc_ref):
    i = pl.program_id(0)
    s_blk = 0.0
    c_blk = 0.0
    for h in range(_IPB):
        y = lbl_ref[i * _IPB + h]
        sgn = jnp.where(y == 1, -1.0, 1.0)
        wgt = jnp.where(y == 1, _POS_WEIGHT, 1.0)
        rows = pl.ds(h * _H, _H)
        x = x_ref[rows, :]
        t = x * sgn
        sp = jnp.maximum(t, 0.0) + jnp.log1p(jnp.exp(-jnp.abs(t)))
        m = (p_ref[rows, :] > 0.5) & (n_ref[rows, :] > 0.5)
        s_blk += jnp.sum(jnp.where(m, sp, 0.0)) * wgt
        c_blk += jnp.sum(jnp.where(m, 1.0, 0.0))

    @pl.when(i == 0)
    def _():
        os_ref[0, 0] = 0.0
        oc_ref[0, 0] = 0.0

    os_ref[0, 0] += s_blk
    oc_ref[0, 0] += c_blk


_tc_partial = pl.pallas_call(
    _tc_body,
    grid_spec=pltpu.PrefetchScalarGridSpec(
        num_scalar_prefetch=1,
        grid=(_TC_GRID,),
        in_specs=[
            pl.BlockSpec((_BR, _W), lambda i, *_: (i, 0)),
            pl.BlockSpec((_BR, _W), lambda i, *_: (i, 0)),
            pl.BlockSpec((_BR, _W), lambda i, *_: (i, 0)),
        ],
        out_specs=[
            pl.BlockSpec(memory_space=pltpu.SMEM),
            pl.BlockSpec(memory_space=pltpu.SMEM),
        ],
    ),
    out_shape=[
        jax.ShapeDtypeStruct((1, 1), jnp.float32),
        jax.ShapeDtypeStruct((1, 1), jnp.float32),
    ],
)


def _combine_body(parts_ref, ts_ref, tc_ref, out_ref):
    ps = parts_ref[...]
    num = jnp.sum(ps[0]) + ts_ref[0, 0]
    den = jnp.sum(ps[1]) + tc_ref[0, 0]
    out_ref[0, 0] = num / den


_combine = pl.pallas_call(
    _combine_body,
    in_specs=[
        pl.BlockSpec((2, _NW, _L), lambda: (0, 0, 0)),
        pl.BlockSpec(memory_space=pltpu.SMEM),
        pl.BlockSpec(memory_space=pltpu.SMEM),
    ],
    out_specs=pl.BlockSpec(memory_space=pltpu.SMEM),
    out_shape=jax.ShapeDtypeStruct((1, 1), jnp.float32),
)


def kernel(cancer_logits, prostate_mask, needle_mask, label, involvement):
    del involvement
    x = cancer_logits.reshape(_ROWS, _W)
    p = prostate_mask.reshape(_ROWS, _W)
    n = needle_mask.reshape(_ROWS, _W)
    lbl = label.astype(jnp.int32)
    parts = _sc_partial(x, p, n, lbl)
    tc_s, tc_c = _tc_partial(lbl, x, p, n)
    loss = _combine(parts, tc_s, tc_c)
    return loss[0, 0]

# --- scband reference (transcript-rebuilt; emitter-appended) ---
"""Pipeline reference for scband-cancer-detection-valid-region-loss-5909875000132 (READ-ONLY COPY).

The authoritative reference and input builder live on the scoring server;
editing this copy changes nothing except your own understanding.
"""

import jax, jax.numpy as jnp
import numpy as np

B, H, W = 16, 384, 384
POS_WEIGHT = 2.0

def setup_inputs(seed: int = 0) -> dict:
    key = jax.random.key(seed)
    k1, k2, k3, k4, k5 = jax.random.split(key, 5)
    return {
        "cancer_logits": jax.random.normal(k1, (B, 1, H, W), dtype=jnp.float32),
        "prostate_mask": jax.random.uniform(k2, (B, 1, H, W), dtype=jnp.float32),
        "needle_mask": jax.random.uniform(k3, (B, 1, H, W), dtype=jnp.float32),
        "label": jax.random.randint(k4, (B,), 0, 2),
        "involvement": jax.random.uniform(k5, (B,), dtype=jnp.float32),
    }

def reference(cancer_logits, prostate_mask, needle_mask, label, involvement):
    # valid-region mask: inside prostate AND inside needle region
    mask = (prostate_mask > 0.5) & (needle_mask > 0.5)  # [B,1,H,W] bool
    mask_f = mask[:, 0].astype(jnp.float32)             # [B,H,W]
    x = cancer_logits[:, 0]                             # [B,H,W]
    # per-pixel label = core label gathered by batch index (broadcast)
    y = label.astype(jnp.float32)[:, None, None]        # [B,1,1]
    # binary_cross_entropy_with_logits with pos_weight:
    # loss = pos_weight*y*softplus(-x) + (1-y)*softplus(x)
    per_pixel = POS_WEIGHT * y * jax.nn.softplus(-x) + (1.0 - y) * jax.nn.softplus(x)
    # mean over masked (valid-region) pixels only, matching torch boolean-mask + mean
    denom = jnp.sum(mask_f)
    loss = jnp.sum(per_pixel * mask_f) / denom
    return loss

if __name__ == "__main__":
    import jax
    _d = setup_inputs()
    print(jax.jit(kernel)(*tuple(_d.values())))

</pallas_src>

<mosaic_0001>
#map = affine_map<(d0, d1) -> (0, 0)>
#map1 = affine_map<(d0, d1) -> (0)>
#map2 = affine_map<(d0, d1) -> (0, 0, 0)>
module attributes {stable_mosaic.version = 14 : i64} {
  func.func @_sc_partial(%arg0: i32, %arg1: i32, %arg2: memref<6144x384xf32, #tpu.memory_space<hbm>>, %arg3: memref<6144x384xf32, #tpu.memory_space<hbm>>, %arg4: memref<6144x384xf32, #tpu.memory_space<hbm>>, %arg5: memref<16xi32, #tpu.memory_space<hbm>>, %arg6: memref<2x32x16xf32, #tpu.memory_space<hbm>>, %arg7: memref<2x24x384xf32, #tpu.memory_space<vmem>>, %arg8: memref<2x24x384xf32, #tpu.memory_space<vmem>>, %arg9: memref<2x24x384xf32, #tpu.memory_space<vmem>>, %arg10: memref<16xi32, #tpu.memory_space<vmem>>, %arg11: memref<16xf32, #tpu.memory_space<vmem>>, %arg12: memref<!tpu.dma_semaphore, #tpu.memory_space<semaphore_mem>>, %arg13: memref<!tpu.dma_semaphore, #tpu.memory_space<semaphore_mem>>, %arg14: memref<!tpu.dma_semaphore, #tpu.memory_space<semaphore_mem>>, %arg15: memref<!tpu.dma_semaphore, #tpu.memory_space<semaphore_mem>>, %arg16: memref<!tpu.dma_semaphore, #tpu.memory_space<semaphore_mem>>, %arg17: memref<!tpu.dma_semaphore, #tpu.memory_space<semaphore_mem>>) attributes {dimension_semantics = [#tpu.dimension_semantics<core_parallel>, #tpu.dimension_semantics<subcore_parallel>], iteration_bounds = array<i64: 2, 16>, scalar_prefetch = 0 : i64, scratch_operands = 11 : i64, tpu.core_type = #tpu.core_type<sc_vector_subcore>, window_params = [{transform_indices = #map}, {transform_indices = #map}, {transform_indices = #map}, {transform_indices = #map1}, {transform_indices = #map2}]} {
    %mul3A = arith.constant 16 : i32
    %mul3A_0 = arith.muli %arg0, %mul3A : i32
    %add3A = arith.addi %mul3A_0, %arg1 : i32
    %mul3A_1 = arith.constant 48 : i32
    %mul3A_2 = arith.muli %add3A, %mul3A_1 : i32
    %add3A_3 = arith.constant 4608 : i32
    %add3A_4 = arith.addi %add3A_3, %mul3A_2 : i32
    "tpu.region"() ({
      %run_scoped3A_284 = tpu.sem_alloc : memref<!tpu.dma_semaphore, #tpu.memory_space<semaphore_mem>>
      tpu.enqueue_dma source(%arg5 : memref<16xi32, #tpu.memory_space<hbm>>) target(%arg10 : memref<16xi32, #tpu.memory_space<vmem>>) target_semaphore(%run_scoped3A_284 : memref<!tpu.dma_semaphore, #tpu.memory_space<semaphore_mem>>)
      tpu.wait_dma2 semaphore(%run_scoped3A_284 : memref<!tpu.dma_semaphore, #tpu.memory_space<semaphore_mem>>) src(%arg5 : memref<16xi32, #tpu.memory_space<hbm>>) dst(%arg10 : memref<16xi32, #tpu.memory_space<vmem>>)
      tpu.yield
    }) : () -> ()
    %get3A = arith.constant 0 : index
    %get3A_5 = tpu.vector_load %arg10[%get3A] {strides = array<i32>} : memref<16xi32, #tpu.memory_space<vmem>>, vector<16xi32>,
    %get3A_6 = vector.shape_cast %get3A_5 : vector<16xi32> to vector<16xi32>
    %broadcast_in_dim3A = arith.constant 0.000000e+00 : f32
    %broadcast_in_dim3A_7 = vector.broadcast %broadcast_in_dim3A : f32 to vector<16xf32>
    %add3A_8 = arith.constant 0 : i32
    %add3A_9 = arith.addi %add3A_4, %add3A_8 : i32
    %dma_start3A = arith.constant 0 : i32
    %dma_start3A_10 = arith.constant 0 : i32
    %dma_start3A_11 = arith.constant 0 : i32
    %dma_start3A_12 = tpu.memref_slice %arg7[%dma_start3A, %dma_start3A_10, %dma_start3A_11] : memref<2x24x384xf32, #tpu.memory_space<vmem>> -> memref<1x24x384xf32, #tpu.memory_space<vmem>>
    %dma_start3A_13 = tpu.memref_squeeze %dma_start3A_12 : memref<1x24x384xf32, #tpu.memory_space<vmem>> -> memref<24x384xf32, #tpu.memory_space<vmem>>
    %dma_start3A_14 = arith.constant 0 : i32
    %dma_start3A_15 = tpu.memref_slice %arg2[%add3A_9, %dma_start3A_14] : memref<6144x384xf32, #tpu.memory_space<hbm>> -> memref<24x384xf32, #tpu.memory_space<hbm>>
    %dma_start3A_16 = arith.constant 0 : i32
    %dma_start3A_17 = arith.constant 0 : i32
    %dma_start3A_18 = tpu.memref_slice %arg7[%dma_start3A, %dma_start3A_16, %dma_start3A_17] : memref<2x24x384xf32, #tpu.memory_space<vmem>> -> memref<1x24x384xf32, #tpu.memory_space<vmem>>
    %dma_start3A_19 = tpu.memref_squeeze %dma_start3A_18 : memref<1x24x384xf32, #tpu.memory_space<vmem>> -> memref<24x384xf32, #tpu.memory_space<vmem>>
    %dma_start3A_20 = arith.constant 0 : i32
    %dma_start3A_21 = tpu.memref_slice %arg2[%add3A_9, %dma_start3A_20] : memref<6144x384xf32, #tpu.memory_space<hbm>> -> memref<24x384xf32, #tpu.memory_space<hbm>>
    tpu.enqueue_dma source(%dma_start3A_21 : memref<24x384xf32, #tpu.memory_space<hbm>>) target(%dma_start3A_19 : memref<24x384xf32, #tpu.memory_space<vmem>>) target_semaphore(%arg12 : memref<!tpu.dma_semaphore, #tpu.memory_space<semaphore_mem>>)
    %dma_start3A_22 = arith.constant 0 : i32
    %dma_start3A_23 = arith.constant 0 : i32
    %dma_start3A_24 = arith.constant 0 : i32
    %dma_start3A_25 = tpu.memref_slice %arg8[%dma_start3A_22, %dma_start3A_23, %dma_start3A_24] : memref<2x24x384xf32, #tpu.memory_space<vmem>> -> memref<1x24x384xf32, #tpu.memory_space<vmem>>
    %dma_start3A_26 = tpu.memref_squeeze %dma_start3A_25 : memref<1x24x384xf32, #tpu.memory_space<vmem>> -> memref<24x384xf32, #tpu.memory_space<vmem>>
    %dma_start3A_27 = arith.constant 0 : i32
    %dma_start3A_28 = tpu.memref_slice %arg3[%add3A_9, %dma_start3A_27] : memref<6144x384xf32, #tpu.memory_space<hbm>> -> memref<24x384xf32, #tpu.memory_space<hbm>>
    %dma_start3A_29 = arith.constant 0 : i32
    %dma_start3A_30 = arith.constant 0 : i32
    %dma_start3A_31 = tpu.memref_slice %arg8[%dma_start3A_22, %dma_start3A_29, %dma_start3A_30] : memref<2x24x384xf32, #tpu.memory_space<vmem>> -> memref<1x24x384xf32, #tpu.memory_space<vmem>>
    %dma_start3A_32 = tpu.memref_squeeze %dma_start3A_31 : memref<1x24x384xf32, #tpu.memory_space<vmem>> -> memref<24x384xf32, #tpu.memory_space<vmem>>
    %dma_start3A_33 = arith.constant 0 : i32
    %dma_start3A_34 = tpu.memref_slice %arg3[%add3A_9, %dma_start3A_33] : memref<6144x384xf32, #tpu.memory_space<hbm>> -> memref<24x384xf32, #tpu.memory_space<hbm>>
    tpu.enqueue_dma source(%dma_start3A_34 : memref<24x384xf32, #tpu.memory_space<hbm>>) target(%dma_start3A_32 : memref<24x384xf32, #tpu.memory_space<vmem>>) target_semaphore(%arg13 : memref<!tpu.dma_semaphore, #tpu.memory_space<semaphore_mem>>)
    %dma_start3A_35 = arith.constant 0 : i32
    %dma_start3A_36 = arith.constant 0 : i32
    %dma_start3A_37 = arith.constant 0 : i32
    %dma_start3A_38 = tpu.memref_slice %arg9[%dma_start3A_35, %dma_start3A_36, %dma_start3A_37] : memref<2x24x384xf32, #tpu.memory_space<vmem>> -> memref<1x24x384xf32, #tpu.memory_space<vmem>>
    %dma_start3A_39 = tpu.memref_squeeze %dma_start3A_38 : memref<1x24x384xf32, #tpu.memory_space<vmem>> -> memref<24x384xf32, #tpu.memory_space<vmem>>
    %dma_start3A_40 = arith.constant 0 : i32
    %dma_start3A_41 = tpu.memref_slice %arg4[%add3A_9, %dma_start3A_40] : memref<6144x384xf32, #tpu.memory_space<hbm>> -> memref<24x384xf32, #tpu.memory_space<hbm>>
    %dma_start3A_42 = arith.constant 0 : i32
    %dma_start3A_43 = arith.constant 0 : i32
    %dma_start3A_44 = tpu.memref_slice %arg9[%dma_start3A_35, %dma_start3A_42, %dma_start3A_43] : memref<2x24x384xf32, #tpu.memory_space<vmem>> -> memref<1x24x384xf32, #tpu.memory_space<vmem>>
    %dma_start3A_45 = tpu.memref_squeeze %dma_start3A_44 : memref<1x24x384xf32, #tpu.memory_space<vmem>> -> memref<24x384xf32, #tpu.memory_space<vmem>>
    %dma_start3A_46 = arith.constant 0 : i32
    %dma_start3A_47 = tpu.memref_slice %arg4[%add3A_9, %dma_start3A_46] : memref<6144x384xf32, #tpu.memory_space<hbm>> -> memref<24x384xf32, #tpu.memory_space<hbm>>
    tpu.enqueue_dma source(%dma_start3A_47 : memref<24x384xf32, #tpu.memory_space<hbm>>) target(%dma_start3A_45 : memref<24x384xf32, #tpu.memory_space<vmem>>) target_semaphore(%arg14 : memref<!tpu.dma_semaphore, #tpu.memory_space<semaphore_mem>>)
    %add3A_48 = arith.constant 24 : i32
    %add3A_49 = arith.addi %add3A_4, %add3A_48 : i32
    %dma_start3A_50 = arith.constant 1 : i32
    %dma_start3A_51 = arith.constant 0 : i32
    %dma_start3A_52 = arith.constant 0 : i32
    %dma_start3A_53 = tpu.memref_slice %arg7[%dma_start3A_50, %dma_start3A_51, %dma_start3A_52] : memref<2x24x384xf32, #tpu.memory_space<vmem>> -> memref<1x24x384xf32, #tpu.memory_space<vmem>>
    %dma_start3A_54 = tpu.memref_squeeze %dma_start3A_53 : memref<1x24x384xf32, #tpu.memory_space<vmem>> -> memref<24x384xf32, #tpu.memory_space<vmem>>
    %dma_start3A_55 = arith.constant 0 : i32
    %dma_start3A_56 = tpu.memref_slice %arg2[%add3A_49, %dma_start3A_55] : memref<6144x384xf32, #tpu.memory_space<hbm>> -> memref<24x384xf32, #tpu.memory_space<hbm>>
    %dma_start3A_57 = arith.constant 0 : i32
    %dma_start3A_58 = arith.constant 0 : i32
    %dma_start3A_59 = tpu.memref_slice %arg7[%dma_start3A_50, %dma_start3A_57, %dma_start3A_58] : memref<2x24x384xf32, #tpu.memory_space<vmem>> -> memref<1x24x384xf32, #tpu.memory_space<vmem>>
    %dma_start3A_60 = tpu.memref_squeeze %dma_start3A_59 : memref<1x24x384xf32, #tpu.memory_space<vmem>> -> memref<24x384xf32, #tpu.memory_space<vmem>>
    %dma_start3A_61 = arith.constant 0 : i32
    %dma_start3A_62 = tpu.memref_slice %arg2[%add3A_49, %dma_start3A_61] : memref<6144x384xf32, #tpu.memory_space<hbm>> -> memref<24x384xf32, #tpu.memory_space<hbm>>
    tpu.enqueue_dma source(%dma_start3A_62 : memref<24x384xf32, #tpu.memory_space<hbm>>) target(%dma_start3A_60 : memref<24x384xf32, #tpu.memory_space<vmem>>) target_semaphore(%arg15 : memref<!tpu.dma_semaphore, #tpu.memory_space<semaphore_mem>>)
    %dma_start3A_63 = arith.constant 1 : i32
    %dma_start3A_64 = arith.constant 0 : i32
    %dma_start3A_65 = arith.constant 0 : i32
    %dma_start3A_66 = tpu.memref_slice %arg8[%dma_start3A_63, %dma_start3A_64, %dma_start3A_65] : memref<2x24x384xf32, #tpu.memory_space<vmem>> -> memref<1x24x384xf32, #tpu.memory_space<vmem>>
    %dma_start3A_67 = tpu.memref_squeeze %dma_start3A_66 : memref<1x24x384xf32, #tpu.memory_space<vmem>> -> memref<24x384xf32, #tpu.memory_space<vmem>>
    %dma_start3A_68 = arith.constant 0 : i32
    %dma_start3A_69 = tpu.memref_slice %arg3[%add3A_49, %dma_start3A_68] : memref<6144x384xf32, #tpu.memory_space<hbm>> -> memref<24x384xf32, #tpu.memory_space<hbm>>
    %dma_start3A_70 = arith.constant 0 : i32
    %dma_start3A_71 = arith.constant 0 : i32
    %dma_start3A_72 = tpu.memref_slice %arg8[%dma_start3A_63, %dma_start3A_70, %dma_start3A_71] : memref<2x24x384xf32, #tpu.memory_space<vmem>> -> memref<1x24x384xf32, #tpu.memory_space<vmem>>
    %dma_start3A_73 = tpu.memref_squeeze %dma_start3A_72 : memref<1x24x384xf32, #tpu.memory_space<vmem>> -> memref<24x384xf32, #tpu.memory_space<vmem>>
    %dma_start3A_74 = arith.constant 0 : i32
    %dma_start3A_75 = tpu.memref_slice %arg3[%add3A_49, %dma_start3A_74] : memref<6144x384xf32, #tpu.memory_space<hbm>> -> memref<24x384xf32, #tpu.memory_space<hbm>>
    tpu.enqueue_dma source(%dma_start3A_75 : memref<24x384xf32, #tpu.memory_space<hbm>>) target(%dma_start3A_73 : memref<24x384xf32, #tpu.memory_space<vmem>>) target_semaphore(%arg16 : memref<!tpu.dma_semaphore, #tpu.memory_space<semaphore_mem>>)
    %dma_start3A_76 = arith.constant 1 : i32
    %dma_start3A_77 = arith.constant 0 : i32
    %dma_start3A_78 = arith.constant 0 : i32
    %dma_start3A_79 = tpu.memref_slice %arg9[%dma_start3A_76, %dma_start3A_77, %dma_start3A_78] : memref<2x24x384xf32, #tpu.memory_space<vmem>> -> memref<1x24x384xf32, #tpu.memory_space<vmem>>
    %dma_start3A_80 = tpu.memref_squeeze %dma_start3A_79 : memref<1x24x384xf32, #tpu.memory_space<vmem>> -> memref<24x384xf32, #tpu.memory_space<vmem>>
    %dma_start3A_81 = arith.constant 0 : i32
    %dma_start3A_82 = tpu.memref_slice %arg4[%add3A_49, %dma_start3A_81] : memref<6144x384xf32, #tpu.memory_space<hbm>> -> memref<24x384xf32, #tpu.memory_space<hbm>>
    %dma_start3A_83 = arith.constant 0 : i32
    %dma_start3A_84 = arith.constant 0 : i32
    %dma_start3A_85 = tpu.memref_slice %arg9[%dma_start3A_76, %dma_start3A_83, %dma_start3A_84] : memref<2x24x384xf32, #tpu.memory_space<vmem>> -> memref<1x24x384xf32, #tpu.memory_space<vmem>>
    %dma_start3A_86 = tpu.memref_squeeze %dma_start3A_85 : memref<1x24x384xf32, #tpu.memory_space<vmem>> -> memref<24x384xf32, #tpu.memory_space<vmem>>
    %dma_start3A_87 = arith.constant 0 : i32
    %dma_start3A_88 = tpu.memref_slice %arg4[%add3A_49, %dma_start3A_87] : memref<6144x384xf32, #tpu.memory_space<hbm>> -> memref<24x384xf32, #tpu.memory_space<hbm>>
    tpu.enqueue_dma source(%dma_start3A_88 : memref<24x384xf32, #tpu.memory_space<hbm>>) target(%dma_start3A_86 : memref<24x384xf32, #tpu.memory_space<vmem>>) target_semaphore(%arg17 : memref<!tpu.dma_semaphore, #tpu.memory_space<semaphore_mem>>)
    %dma_wait3A = arith.constant 0 : i32
    %dma_wait3A_89 = arith.constant 0 : i32
    %dma_wait3A_90 = arith.constant 0 : i32
    %dma_wait3A_91 = tpu.memref_slice %arg7[%dma_wait3A, %dma_wait3A_89, %dma_wait3A_90] : memref<2x24x384xf32, #tpu.memory_space<vmem>> -> memref<1x24x384xf32, #tpu.memory_space<vmem>>
    %dma_wait3A_92 = tpu.memref_squeeze %dma_wait3A_91 : memref<1x24x384xf32, #tpu.memory_space<vmem>> -> memref<24x384xf32, #tpu.memory_space<vmem>>
    %dma_wait3A_93 = arith.constant 0 : i32
    %dma_wait3A_94 = tpu.memref_slice %arg2[%add3A_9, %dma_wait3A_93] : memref<6144x384xf32, #tpu.memory_space<hbm>> -> memref<24x384xf32, #tpu.memory_space<hbm>>
    %dma_wait3A_95 = arith.constant 0 : i32
    %dma_wait3A_96 = arith.constant 0 : i32
    %dma_wait3A_97 = tpu.memref_slice %arg7[%dma_wait3A, %dma_wait3A_95, %dma_wait3A_96] : memref<2x24x384xf32, #tpu.memory_space<vmem>> -> memref<1x24x384xf32, #tpu.memory_space<vmem>>
    %dma_wait3A_98 = tpu.memref_squeeze %dma_wait3A_97 : memref<1x24x384xf32, #tpu.memory_space<vmem>> -> memref<24x384xf32, #tpu.memory_space<vmem>>
    %dma_wait3A_99 = arith.constant 0 : i32
    %dma_wait3A_100 = tpu.memref_slice %arg2[%add3A_9, %dma_wait3A_99] : memref<6144x384xf32, #tpu.memory_space<hbm>> -> memref<24x384xf32, #tpu.memory_space<hbm>>
    tpu.wait_dma2 semaphore(%arg12 : memref<!tpu.dma_semaphore, #tpu.memory_space<semaphore_mem>>) src(%dma_wait3A_100 : memref<24x384xf32, #tpu.memory_space<hbm>>) dst(%dma_wait3A_98 : memref<24x384xf32, #tpu.memory_space<vmem>>)
    %dma_wait3A_101 = arith.constant 0 : i32
    %dma_wait3A_102 = arith.constant 0 : i32
    %dma_wait3A_103 = arith.constant 0 : i32
    %dma_wait3A_104 = tpu.memref_slice %arg8[%dma_wait3A_101, %dma_wait3A_102, %dma_wait3A_103] : memref<2x24x384xf32, #tpu.memory_space<vmem>> -> memref<1x24x384xf32, #tpu.memory_space<vmem>>
    %dma_wait3A_105 = tpu.memref_squeeze %dma_wait3A_104 : memref<1x24x384xf32, #tpu.memory_space<vmem>> -> memref<24x384xf32, #tpu.memory_space<vmem>>
    %dma_wait3A_106 = arith.constant 0 : i32
    %dma_wait3A_107 = tpu.memref_slice %arg3[%add3A_9, %dma_wait3A_106] : memref<6144x384xf32, #tpu.memory_space<hbm>> -> memref<24x384xf32, #tpu.memory_space<hbm>>
    %dma_wait3A_108 = arith.constant 0 : i32
    %dma_wait3A_109 = arith.constant 0 : i32
    %dma_wait3A_110 = tpu.memref_slice %arg8[%dma_wait3A_101, %dma_wait3A_108, %dma_wait3A_109] : memref<2x24x384xf32, #tpu.memory_space<vmem>> -> memref<1x24x384xf32, #tpu.memory_space<vmem>>
    %dma_wait3A_111 = tpu.memref_squeeze %dma_wait3A_110 : memref<1x24x384xf32, #tpu.memory_space<vmem>> -> memref<24x384xf32, #tpu.memory_space<vmem>>
    %dma_wait3A_112 = arith.constant 0 : i32
    %dma_wait3A_113 = tpu.memref_slice %arg3[%add3A_9, %dma_wait3A_112] : memref<6144x384xf32, #tpu.memory_space<hbm>> -> memref<24x384xf32, #tpu.memory_space<hbm>>
    tpu.wait_dma2 semaphore(%arg13 : memref<!tpu.dma_semaphore, #tpu.memory_space<semaphore_mem>>) src(%dma_wait3A_113 : memref<24x384xf32, #tpu.memory_space<hbm>>) dst(%dma_wait3A_111 : memref<24x384xf32, #tpu.memory_space<vmem>>)
    %dma_wait3A_114 = arith.constant 0 : i32
    %dma_wait3A_115 = arith.constant 0 : i32
    %dma_wait3A_116 = arith.constant 0 : i32
    %dma_wait3A_117 = tpu.memref_slice %arg9[%dma_wait3A_114, %dma_wait3A_115, %dma_wait3A_116] : memref<2x24x384xf32, #tpu.memory_space<vmem>> -> memref<1x24x384xf32, #tpu.memory_space<vmem>>
    %dma_wait3A_118 = tpu.memref_squeeze %dma_wait3A_117 : memref<1x24x384xf32, #tpu.memory_space<vmem>> -> memref<24x384xf32, #tpu.memory_space<vmem>>
    %dma_wait3A_119 = arith.constant 0 : i32
    %dma_wait3A_120 = tpu.memref_slice %arg4[%add3A_9, %dma_wait3A_119] : memref<6144x384xf32, #tpu.memory_space<hbm>> -> memref<24x384xf32, #tpu.memory_space<hbm>>
    %dma_wait3A_121 = arith.constant 0 : i32
    %dma_wait3A_122 = arith.constant 0 : i32
    %dma_wait3A_123 = tpu.memref_slice %arg9[%dma_wait3A_114, %dma_wait3A_121, %dma_wait3A_122] : memref<2x24x384xf32, #tpu.memory_space<vmem>> -> memref<1x24x384xf32, #tpu.memory_space<vmem>>
    %dma_wait3A_124 = tpu.memref_squeeze %dma_wait3A_123 : memref<1x24x384xf32, #tpu.memory_space<vmem>> -> memref<24x384xf32, #tpu.memory_space<vmem>>
    %dma_wait3A_125 = arith.constant 0 : i32
    %dma_wait3A_126 = tpu.memref_slice %arg4[%add3A_9, %dma_wait3A_125] : memref<6144x384xf32, #tpu.memory_space<hbm>> -> memref<24x384xf32, #tpu.memory_space<hbm>>
    tpu.wait_dma2 semaphore(%arg14 : memref<!tpu.dma_semaphore, #tpu.memory_space<semaphore_mem>>) src(%dma_wait3A_126 : memref<24x384xf32, #tpu.memory_space<hbm>>) dst(%dma_wait3A_124 : memref<24x384xf32, #tpu.memory_space<vmem>>)
    %add3A_127 = arith.constant 0 : i32
    %add3A_128 = arith.addi %add3A_4, %add3A_127 : i32
    %jit3A = arith.constant 384 : i32
    %div3A = arith.divsi %add3A_128, %jit3A : i32
    %sign3A = arith.constant 0 : i32
    %sign3A_129 = arith.cmpi sgt, %add3A_128, %sign3A : i32
    %sign3A_130 = arith.extui %sign3A_129 : i1 to i32
    %sign3A_131 = arith.constant 0 : i32
    %sign3A_132 = arith.cmpi slt, %add3A_128, %sign3A_131 : i32
    %sign3A_133 = arith.extui %sign3A_132 : i1 to i32
    %sign3A_134 = arith.subi %sign3A_130, %sign3A_133 : i32
    %sign3A_135 = arith.constant 0 : i32
    %sign3A_136 = arith.cmpi sgt, %jit3A, %sign3A_135 : i32
    %sign3A_137 = arith.extui %sign3A_136 : i1 to i32
    %sign3A_138 = arith.constant 0 : i32
    %sign3A_139 = arith.cmpi slt, %jit3A, %sign3A_138 : i32
    %sign3A_140 = arith.extui %sign3A_139 : i1 to i32
    %sign3A_141 = arith.subi %sign3A_137, %sign3A_140 : i32
    %ne3A = arith.cmpi ne, %sign3A_134, %sign3A_141 : i32
    %rem3A = arith.remsi %add3A_128, %jit3A : i32
    %ne3A_142 = arith.constant 0 : i32
    %ne3A_143 = arith.cmpi ne, %rem3A, %ne3A_142 : i32
    %and3A = arith.andi %ne3A, %ne3A_143 : i1
    %sub3A = arith.constant 1 : i32
    %sub3A_144 = arith.subi %div3A, %sub3A : i32
    %select_n3A = arith.select %and3A, %sub3A_144, %div3A : i32
    %broadcast_in_dim3A_145 = vector.broadcast %select_n3A : i32 to vector<16xi32>
    %lt3A = arith.constant 0 : i32
    %lt3A_146 = vector.broadcast %lt3A : i32 to vector<16xi32>
    %lt3A_147 = arith.cmpi slt, %broadcast_in_dim3A_145, %lt3A_146 : vector<16xi32>
    %add3A_148 = arith.constant 16 : i32
    %add3A_149 = vector.broadcast %add3A_148 : i32 to vector<16xi32>
    %add3A_150 = arith.addi %broadcast_in_dim3A_145, %add3A_149 : vector<16xi32>
    %select_n3A_151 = arith.select %lt3A_147, %add3A_150, %broadcast_in_dim3A_145 : vector<16xi1>, vector<16xi32>
    %broadcast_in_dim3A_152 = vector.shape_cast %select_n3A_151 : vector<16xi32> to vector<16x1xi32>
    %gather3A = vector.shape_cast %broadcast_in_dim3A_152 : vector<16x1xi32> to vector<16xi32>
    %gather3A_153 = tpu.dynamic_gather %get3A_6[%gather3A] in [0] : vector<16xi32>, vector<16xi32> -> vector<16xi32>
    %eq3A = arith.constant 1 : i32
    %eq3A_154 = vector.broadcast %eq3A : i32 to vector<16xi32>
    %eq3A_155 = arith.cmpi eq, %gather3A_153, %eq3A_154 : vector<16xi32>
    %jit3A_156 = arith.constant -1.000000e+00 : f32
    %jit3A_157 = arith.constant 1.000000e+00 : f32
    %broadcast_in_dim3A_158 = vector.broadcast %jit3A_156 : f32 to vector<16xf32>
    %broadcast_in_dim3A_159 = vector.broadcast %jit3A_157 : f32 to vector<16xf32>
    %select_n3A_160 = arith.select %eq3A_155, %broadcast_in_dim3A_158, %broadcast_in_dim3A_159 : vector<16xi1>, vector<16xf32>
    %jit3A_161 = arith.constant 2.000000e+00 : f32
    %jit3A_162 = arith.constant 1.000000e+00 : f32
    %broadcast_in_dim3A_163 = vector.broadcast %jit3A_161 : f32 to vector<16xf32>
    %broadcast_in_dim3A_164 = vector.broadcast %jit3A_162 : f32 to vector<16xf32>
    %select_n3A_165 = arith.select %eq3A_155, %broadcast_in_dim3A_163, %broadcast_in_dim3A_164 : vector<16xi1>, vector<16xf32>
    %broadcast_in_dim3A_166 = arith.constant 0.000000e+00 : f32
    %broadcast_in_dim3A_167 = vector.broadcast %broadcast_in_dim3A_166 : f32 to vector<16xf32>
    %scan3A = arith.constant 0 : i32
    %scan3A_168 = arith.constant 576 : i32
    %scan3A_169 = arith.addi %scan3A, %scan3A_168 : i32
    %scan3A_170 = arith.constant 1 : i32
    %scan3A_171:2 = scf.for %scan3A_284 = %scan3A to %scan3A_169 step %scan3A_170 iter_args(%scan3A_285 = %broadcast_in_dim3A_167, %scan3A_286 = %broadcast_in_dim3A_167) -> (vector<16xf32>, vector<16xf32>)  : i32 {
      %jit3A_287 = arith.constant 24 : i32
      %div3A_288 = arith.divsi %scan3A_284, %jit3A_287 : i32
      %sign3A_289 = arith.constant 0 : i32
      %sign3A_290 = arith.cmpi sgt, %scan3A_284, %sign3A_289 : i32
      %sign3A_291 = arith.extui %sign3A_290 : i1 to i32
      %sign3A_292 = arith.constant 0 : i32
      %sign3A_293 = arith.cmpi slt, %scan3A_284, %sign3A_292 : i32
      %sign3A_294 = arith.extui %sign3A_293 : i1 to i32
      %sign3A_295 = arith.subi %sign3A_291, %sign3A_294 : i32
      %sign3A_296 = arith.constant 0 : i32
      %sign3A_297 = arith.cmpi sgt, %jit3A_287, %sign3A_296 : i32
      %sign3A_298 = arith.extui %sign3A_297 : i1 to i32
      %sign3A_299 = arith.constant 0 : i32
      %sign3A_300 = arith.cmpi slt, %jit3A_287, %sign3A_299 : i32
      %sign3A_301 = arith.extui %sign3A_300 : i1 to i32
      %sign3A_302 = arith.subi %sign3A_298, %sign3A_301 : i32
      %ne3A_303 = arith.cmpi ne, %sign3A_295, %sign3A_302 : i32
      %rem3A_304 = arith.remsi %scan3A_284, %jit3A_287 : i32
      %ne3A_305 = arith.constant 0 : i32
      %ne3A_306 = arith.cmpi ne, %rem3A_304, %ne3A_305 : i32
      %and3A_307 = arith.andi %ne3A_303, %ne3A_306 : i1
      %sub3A_308 = arith.constant 1 : i32
      %sub3A_309 = arith.subi %div3A_288, %sub3A_308 : i32
      %select_n3A_310 = arith.select %and3A_307, %sub3A_309, %div3A_288 : i32
      %jit3A_311 = arith.constant 24 : i32
      %eq3A_312 = arith.constant 0 : i32
      %eq3A_313 = arith.cmpi eq, %jit3A_311, %eq3A_312 : i32
      %jit3A_314 = arith.constant 1 : i32
      %select_n3A_315 = arith.select %eq3A_313, %jit3A_314, %jit3A_311 : i32
      %rem3A_316 = arith.remsi %scan3A_284, %select_n3A_315 : i32
      %ne3A_317 = arith.constant 0 : i32
      %ne3A_318 = arith.cmpi ne, %rem3A_316, %ne3A_317 : i32
      %lt3A_319 = arith.constant 0 : i32
      %lt3A_320 = arith.cmpi slt, %rem3A_316, %lt3A_319 : i32
      %lt3A_321 = arith.constant 0 : i32
      %lt3A_322 = arith.cmpi slt, %select_n3A_315, %lt3A_321 : i32
      %ne3A_323 = arith.xori %lt3A_320, %lt3A_322 : i1
      %and3A_324 = arith.andi %ne3A_323, %ne3A_318 : i1
      %add3A_325 = arith.addi %rem3A_316, %select_n3A_315 : i32
      %select_n3A_326 = arith.select %and3A_324, %add3A_325, %rem3A_316 : i32
      %mul3A_327 = arith.constant 16 : i32
      %mul3A_328 = arith.muli %select_n3A_326, %mul3A_327 : i32
      %get3A_329 = arith.constant 0 : i32
      %get3A_330 = arith.index_cast %get3A_329 : i32 to index
      %get3A_331 = arith.index_cast %select_n3A_310 : i32 to index
      %get3A_332 = arith.index_cast %mul3A_328 : i32 to index
      %get3A_333 = tpu.vector_load %arg7[%get3A_330, %get3A_331, %get3A_332] {strides = array<i32>} : memref<2x24x384xf32, #tpu.memory_space<vmem>>, vector<1x1x16xf32>,
      %get3A_334 = vector.shape_cast %get3A_333 : vector<1x1x16xf32> to vector<16xf32>
      %get3A_335 = arith.constant 0 : i32
      %get3A_336 = arith.index_cast %get3A_335 : i32 to index
      %get3A_337 = arith.index_cast %select_n3A_310 : i32 to index
      %get3A_338 = arith.index_cast %mul3A_328 : i32 to index
      %get3A_339 = tpu.vector_load %arg8[%get3A_336, %get3A_337, %get3A_338] {strides = array<i32>} : memref<2x24x384xf32, #tpu.memory_space<vmem>>, vector<1x1x16xf32>,
      %get3A_340 = vector.shape_cast %get3A_339 : vector<1x1x16xf32> to vector<16xf32>
      %get3A_341 = arith.constant 0 : i32
      %get3A_342 = arith.index_cast %get3A_341 : i32 to index
      %get3A_343 = arith.index_cast %select_n3A_310 : i32 to index
      %get3A_344 = arith.index_cast %mul3A_328 : i32 to index
      %get3A_345 = tpu.vector_load %arg9[%get3A_342, %get3A_343, %get3A_344] {strides = array<i32>} : memref<2x24x384xf32, #tpu.memory_space<vmem>>, vector<1x1x16xf32>,
      %get3A_346 = vector.shape_cast %get3A_345 : vector<1x1x16xf32> to vector<16xf32>
      %mul3A_347 = arith.mulf %get3A_334, %select_n3A_160 : vector<16xf32>
      %abs3A = math.absf %mul3A_347 : vector<16xf32>
      %max3A = arith.constant 0.000000e+00 : f32
      %max3A_348 = vector.broadcast %max3A : f32 to vector<16xf32>
      %max3A_349 = arith.maximumf %mul3A_347, %max3A_348 : vector<16xf32>
      %neg3A = arith.constant 0.000000e+00 : f32
      %neg3A_350 = vector.broadcast %neg3A : f32 to vector<16xf32>
      %neg3A_351 = arith.subf %neg3A_350, %abs3A : vector<16xf32>
      %exp3A = math.exp %neg3A_351 : vector<16xf32>
      %mul3A_352 = arith.constant 0.0410640687 : f32
      %mul3A_353 = vector.broadcast %mul3A_352 : f32 to vector<16xf32>
      %mul3A_354 = arith.mulf %mul3A_353, %exp3A : vector<16xf32>
      %add3A_355 = arith.constant -0.156026945 : f32
      %add3A_356 = vector.broadcast %add3A_355 : f32 to vector<16xf32>
      %add3A_357 = arith.addf %mul3A_354, %add3A_356 : vector<16xf32>
      %mul3A_358 = arith.mulf %add3A_357, %exp3A : vector<16xf32>
      %add3A_359 = arith.constant 0.30467087 : f32
      %add3A_360 = vector.broadcast %add3A_359 : f32 to vector<16xf32>
      %add3A_361 = arith.addf %mul3A_358, %add3A_360 : vector<16xf32>
      %mul3A_362 = arith.mulf %add3A_361, %exp3A : vector<16xf32>
      %add3A_363 = arith.constant -0.496367753 : f32
      %add3A_364 = vector.broadcast %add3A_363 : f32 to vector<16xf32>
      %add3A_365 = arith.addf %mul3A_362, %add3A_364 : vector<16xf32>
      %mul3A_366 = arith.mulf %add3A_365, %exp3A : vector<16xf32>
      %add3A_367 = arith.constant 0.999887883 : f32
      %add3A_368 = vector.broadcast %add3A_367 : f32 to vector<16xf32>
      %add3A_369 = arith.addf %mul3A_366, %add3A_368 : vector<16xf32>
      %mul3A_370 = arith.mulf %add3A_369, %exp3A : vector<16xf32>
      %add3A_371 = arith.addf %max3A_349, %mul3A_370 : vector<16xf32>
      %min3A = arith.minimumf %get3A_340, %get3A_346 : vector<16xf32>
      %gt3A = arith.constant 5.000000e-01 : f32
      %gt3A_372 = vector.broadcast %gt3A : f32 to vector<16xf32>
      %gt3A_373 = arith.cmpf ogt, %min3A, %gt3A_372 : vector<16xf32>
      %jit3A_374 = arith.constant 0.000000e+00 : f32
      %broadcast_in_dim3A_375 = vector.broadcast %jit3A_374 : f32 to vector<16xf32>
      %select_n3A_376 = arith.select %gt3A_373, %add3A_371, %broadcast_in_dim3A_375 : vector<16xi1>, vector<16xf32>
      %add3A_377 = arith.addf %scan3A_285, %select_n3A_376 : vector<16xf32>
      %jit3A_378 = arith.constant 1.000000e+00 : f32
      %jit3A_379 = arith.constant 0.000000e+00 : f32
      %broadcast_in_dim3A_380 = vector.broadcast %jit3A_378 : f32 to vector<16xf32>
      %broadcast_in_dim3A_381 = vector.broadcast %jit3A_379 : f32 to vector<16xf32>
      %select_n3A_382 = arith.select %gt3A_373, %broadcast_in_dim3A_380, %broadcast_in_dim3A_381 : vector<16xi1>, vector<16xf32>
      %add3A_383 = arith.addf %scan3A_286, %select_n3A_382 : vector<16xf32>
      scf.yield %add3A_377, %add3A_383 : vector<16xf32>, vector<16xf32>
    }
    %scan3A_172 = arith.constant 576 : i32
    %mul3A_173 = arith.mulf %scan3A_171#0, %select_n3A_165 : vector<16xf32>
    %add3A_174 = arith.addf %broadcast_in_dim3A_7, %mul3A_173 : vector<16xf32>
    %add3A_175 = arith.addf %broadcast_in_dim3A_7, %scan3A_171#1 : vector<16xf32>
    %dma_wait3A_176 = arith.constant 1 : i32
    %dma_wait3A_177 = arith.constant 0 : i32
    %dma_wait3A_178 = arith.constant 0 : i32
    %dma_wait3A_179 = tpu.memref_slice %arg7[%dma_wait3A_176, %dma_wait3A_177, %dma_wait3A_178] : memref<2x24x384xf32, #tpu.memory_space<vmem>> -> memref<1x24x384xf32, #tpu.memory_space<vmem>>
    %dma_wait3A_180 = tpu.memref_squeeze %dma_wait3A_179 : memref<1x24x384xf32, #tpu.memory_space<vmem>> -> memref<24x384xf32, #tpu.memory_space<vmem>>
    %dma_wait3A_181 = arith.constant 0 : i32
    %dma_wait3A_182 = tpu.memref_slice %arg2[%add3A_49, %dma_wait3A_181] : memref<6144x384xf32, #tpu.memory_space<hbm>> -> memref<24x384xf32, #tpu.memory_space<hbm>>
    %dma_wait3A_183 = arith.constant 0 : i32
    %dma_wait3A_184 = arith.constant 0 : i32
    %dma_wait3A_185 = tpu.memref_slice %arg7[%dma_wait3A_176, %dma_wait3A_183, %dma_wait3A_184] : memref<2x24x384xf32, #tpu.memory_space<vmem>> -> memref<1x24x384xf32, #tpu.memory_space<vmem>>
    %dma_wait3A_186 = tpu.memref_squeeze %dma_wait3A_185 : memref<1x24x384xf32, #tpu.memory_space<vmem>> -> memref<24x384xf32, #tpu.memory_space<vmem>>
    %dma_wait3A_187 = arith.constant 0 : i32
    %dma_wait3A_188 = tpu.memref_slice %arg2[%add3A_49, %dma_wait3A_187] : memref<6144x384xf32, #tpu.memory_space<hbm>> -> memref<24x384xf32, #tpu.memory_space<hbm>>
    tpu.wait_dma2 semaphore(%arg15 : memref<!tpu.dma_semaphore, #tpu.memory_space<semaphore_mem>>) src(%dma_wait3A_188 : memref<24x384xf32, #tpu.memory_space<hbm>>) dst(%dma_wait3A_186 : memref<24x384xf32, #tpu.memory_space<vmem>>)
    %dma_wait3A_189 = arith.constant 1 : i32
    %dma_wait3A_190 = arith.constant 0 : i32
    %dma_wait3A_191 = arith.constant 0 : i32
    %dma_wait3A_192 = tpu.memref_slice %arg8[%dma_wait3A_189, %dma_wait3A_190, %dma_wait3A_191] : memref<2x24x384xf32, #tpu.memory_space<vmem>> -> memref<1x24x384xf32, #tpu.memory_space<vmem>>
    %dma_wait3A_193 = tpu.memref_squeeze %dma_wait3A_192 : memref<1x24x384xf32, #tpu.memory_space<vmem>> -> memref<24x384xf32, #tpu.memory_space<vmem>>
    %dma_wait3A_194 = arith.constant 0 : i32
    %dma_wait3A_195 = tpu.memref_slice %arg3[%add3A_49, %dma_wait3A_194] : memref<6144x384xf32, #tpu.memory_space<hbm>> -> memref<24x384xf32, #tpu.memory_space<hbm>>
    %dma_wait3A_196 = arith.constant 0 : i32
    %dma_wait3A_197 = arith.constant 0 : i32
    %dma_wait3A_198 = tpu.memref_slice %arg8[%dma_wait3A_189, %dma_wait3A_196, %dma_wait3A_197] : memref<2x24x384xf32, #tpu.memory_space<vmem>> -> memref<1x24x384xf32, #tpu.memory_space<vmem>>
    %dma_wait3A_199 = tpu.memref_squeeze %dma_wait3A_198 : memref<1x24x384xf32, #tpu.memory_space<vmem>> -> memref<24x384xf32, #tpu.memory_space<vmem>>
    %dma_wait3A_200 = arith.constant 0 : i32
    %dma_wait3A_201 = tpu.memref_slice %arg3[%add3A_49, %dma_wait3A_200] : memref<6144x384xf32, #tpu.memory_space<hbm>> -> memref<24x384xf32, #tpu.memory_space<hbm>>
    tpu.wait_dma2 semaphore(%arg16 : memref<!tpu.dma_semaphore, #tpu.memory_space<semaphore_mem>>) src(%dma_wait3A_201 : memref<24x384xf32, #tpu.memory_space<hbm>>) dst(%dma_wait3A_199 : memref<24x384xf32, #tpu.memory_space<vmem>>)
    %dma_wait3A_202 = arith.constant 1 : i32
    %dma_wait3A_203 = arith.constant 0 : i32
    %dma_wait3A_204 = arith.constant 0 : i32
    %dma_wait3A_205 = tpu.memref_slice %arg9[%dma_wait3A_202, %dma_wait3A_203, %dma_wait3A_204] : memref<2x24x384xf32, #tpu.memory_space<vmem>> -> memref<1x24x384xf32, #tpu.memory_space<vmem>>
    %dma_wait3A_206 = tpu.memref_squeeze %dma_wait3A_205 : memref<1x24x384xf32, #tpu.memory_space<vmem>> -> memref<24x384xf32, #tpu.memory_space<vmem>>
    %dma_wait3A_207 = arith.constant 0 : i32
    %dma_wait3A_208 = tpu.memref_slice %arg4[%add3A_49, %dma_wait3A_207] : memref<6144x384xf32, #tpu.memory_space<hbm>> -> memref<24x384xf32, #tpu.memory_space<hbm>>
    %dma_wait3A_209 = arith.constant 0 : i32
    %dma_wait3A_210 = arith.constant 0 : i32
    %dma_wait3A_211 = tpu.memref_slice %arg9[%dma_wait3A_202, %dma_wait3A_209, %dma_wait3A_210] : memref<2x24x384xf32, #tpu.memory_space<vmem>> -> memref<1x24x384xf32, #tpu.memory_space<vmem>>
    %dma_wait3A_212 = tpu.memref_squeeze %dma_wait3A_211 : memref<1x24x384xf32, #tpu.memory_space<vmem>> -> memref<24x384xf32, #tpu.memory_space<vmem>>
    %dma_wait3A_213 = arith.constant 0 : i32
    %dma_wait3A_214 = tpu.memref_slice %arg4[%add3A_49, %dma_wait3A_213] : memref<6144x384xf32, #tpu.memory_space<hbm>> -> memref<24x384xf32, #tpu.memory_space<hbm>>
    tpu.wait_dma2 semaphore(%arg17 : memref<!tpu.dma_semaphore, #tpu.memory_space<semaphore_mem>>) src(%dma_wait3A_214 : memref<24x384xf32, #tpu.memory_space<hbm>>) dst(%dma_wait3A_212 : memref<24x384xf32, #tpu.memory_space<vmem>>)
    %add3A_215 = arith.constant 24 : i32
    %add3A_216 = arith.addi %add3A_4, %add3A_215 : i32
    %jit3A_217 = arith.constant 384 : i32
    %div3A_218 = arith.divsi %add3A_216, %jit3A_217 : i32
    %sign3A_219 = arith.constant 0 : i32
    %sign3A_220 = arith.cmpi sgt, %add3A_216, %sign3A_219 : i32
    %sign3A_221 = arith.extui %sign3A_220 : i1 to i32
    %sign3A_222 = arith.constant 0 : i32
    %sign3A_223 = arith.cmpi slt, %add3A_216, %sign3A_222 : i32
    %sign3A_224 = arith.extui %sign3A_223 : i1 to i32
    %sign3A_225 = arith.subi %sign3A_221, %sign3A_224 : i32
    %sign3A_226 = arith.constant 0 : i32
    %sign3A_227 = arith.cmpi sgt, %jit3A_217, %sign3A_226 : i32
    %sign3A_228 = arith.extui %sign3A_227 : i1 to i32
    %sign3A_229 = arith.constant 0 : i32
    %sign3A_230 = arith.cmpi slt, %jit3A_217, %sign3A_229 : i32
    %sign3A_231 = arith.extui %sign3A_230 : i1 to i32
    %sign3A_232 = arith.subi %sign3A_228, %sign3A_231 : i32
    %ne3A_233 = arith.cmpi ne, %sign3A_225, %sign3A_232 : i32
    %rem3A_234 = arith.remsi %add3A_216, %jit3A_217 : i32
    %ne3A_235 = arith.constant 0 : i32
    %ne3A_236 = arith.cmpi ne, %rem3A_234, %ne3A_235 : i32
    %and3A_237 = arith.andi %ne3A_233, %ne3A_236 : i1
    %sub3A_238 = arith.constant 1 : i32
    %sub3A_239 = arith.subi %div3A_218, %sub3A_238 : i32
    %select_n3A_240 = arith.select %and3A_237, %sub3A_239, %div3A_218 : i32
    %broadcast_in_dim3A_241 = vector.broadcast %select_n3A_240 : i32 to vector<16xi32>
    %lt3A_242 = arith.constant 0 : i32
    %lt3A_243 = vector.broadcast %lt3A_242 : i32 to vector<16xi32>
    %lt3A_244 = arith.cmpi slt, %broadcast_in_dim3A_241, %lt3A_243 : vector<16xi32>
    %add3A_245 = arith.constant 16 : i32
    %add3A_246 = vector.broadcast %add3A_245 : i32 to vector<16xi32>
    %add3A_247 = arith.addi %broadcast_in_dim3A_241, %add3A_246 : vector<16xi32>
    %select_n3A_248 = arith.select %lt3A_244, %add3A_247, %broadcast_in_dim3A_241 : vector<16xi1>, vector<16xi32>
    %broadcast_in_dim3A_249 = vector.shape_cast %select_n3A_248 : vector<16xi32> to vector<16x1xi32>
    %gather3A_250 = vector.shape_cast %broadcast_in_dim3A_249 : vector<16x1xi32> to vector<16xi32>
    %gather3A_251 = tpu.dynamic_gather %get3A_6[%gather3A_250] in [0] : vector<16xi32>, vector<16xi32> -> vector<16xi32>
    %eq3A_252 = arith.constant 1 : i32
    %eq3A_253 = vector.broadcast %eq3A_252 : i32 to vector<16xi32>
    %eq3A_254 = arith.cmpi eq, %gather3A_251, %eq3A_253 : vector<16xi32>
    %jit3A_255 = arith.constant -1.000000e+00 : f32
    %jit3A_256 = arith.constant 1.000000e+00 : f32
    %broadcast_in_dim3A_257 = vector.broadcast %jit3A_255 : f32 to vector<16xf32>
    %broadcast_in_dim3A_258 = vector.broadcast %jit3A_256 : f32 to vector<16xf32>
    %select_n3A_259 = arith.select %eq3A_254, %broadcast_in_dim3A_257, %broadcast_in_dim3A_258 : vector<16xi1>, vector<16xf32>
    %jit3A_260 = arith.constant 2.000000e+00 : f32
    %jit3A_261 = arith.constant 1.000000e+00 : f32
    %broadcast_in_dim3A_262 = vector.broadcast %jit3A_260 : f32 to vector<16xf32>
    %broadcast_in_dim3A_263 = vector.broadcast %jit3A_261 : f32 to vector<16xf32>
    %select_n3A_264 = arith.select %eq3A_254, %broadcast_in_dim3A_262, %broadcast_in_dim3A_263 : vector<16xi1>, vector<16xf32>
    %broadcast_in_dim3A_265 = arith.constant 0.000000e+00 : f32
    %broadcast_in_dim3A_266 = vector.broadcast %broadcast_in_dim3A_265 : f32 to vector<16xf32>
    %scan3A_267 = arith.constant 0 : i32
    %scan3A_268 = arith.constant 576 : i32
    %scan3A_269 = arith.addi %scan3A_267, %scan3A_268 : i32
    %scan3A_270 = arith.constant 1 : i32
    %scan3A_271:2 = scf.for %scan3A_284 = %scan3A_267 to %scan3A_269 step %scan3A_270 iter_args(%scan3A_285 = %broadcast_in_dim3A_266, %scan3A_286 = %broadcast_in_dim3A_266) -> (vector<16xf32>, vector<16xf32>)  : i32 {
      %jit3A_287 = arith.constant 24 : i32
      %div3A_288 = arith.divsi %scan3A_284, %jit3A_287 : i32
      %sign3A_289 = arith.constant 0 : i32
      %sign3A_290 = arith.cmpi sgt, %scan3A_284, %sign3A_289 : i32
      %sign3A_291 = arith.extui %sign3A_290 : i1 to i32
      %sign3A_292 = arith.constant 0 : i32
      %sign3A_293 = arith.cmpi slt, %scan3A_284, %sign3A_292 : i32
      %sign3A_294 = arith.extui %sign3A_293 : i1 to i32
      %sign3A_295 = arith.subi %sign3A_291, %sign3A_294 : i32
      %sign3A_296 = arith.constant 0 : i32
      %sign3A_297 = arith.cmpi sgt, %jit3A_287, %sign3A_296 : i32
      %sign3A_298 = arith.extui %sign3A_297 : i1 to i32
      %sign3A_299 = arith.constant 0 : i32
      %sign3A_300 = arith.cmpi slt, %jit3A_287, %sign3A_299 : i32
      %sign3A_301 = arith.extui %sign3A_300 : i1 to i32
      %sign3A_302 = arith.subi %sign3A_298, %sign3A_301 : i32
      %ne3A_303 = arith.cmpi ne, %sign3A_295, %sign3A_302 : i32
      %rem3A_304 = arith.remsi %scan3A_284, %jit3A_287 : i32
      %ne3A_305 = arith.constant 0 : i32
      %ne3A_306 = arith.cmpi ne, %rem3A_304, %ne3A_305 : i32
      %and3A_307 = arith.andi %ne3A_303, %ne3A_306 : i1
      %sub3A_308 = arith.constant 1 : i32
      %sub3A_309 = arith.subi %div3A_288, %sub3A_308 : i32
      %select_n3A_310 = arith.select %and3A_307, %sub3A_309, %div3A_288 : i32
      %jit3A_311 = arith.constant 24 : i32
      %eq3A_312 = arith.constant 0 : i32
      %eq3A_313 = arith.cmpi eq, %jit3A_311, %eq3A_312 : i32
      %jit3A_314 = arith.constant 1 : i32
      %select_n3A_315 = arith.select %eq3A_313, %jit3A_314, %jit3A_311 : i32
      %rem3A_316 = arith.remsi %scan3A_284, %select_n3A_315 : i32
      %ne3A_317 = arith.constant 0 : i32
      %ne3A_318 = arith.cmpi ne, %rem3A_316, %ne3A_317 : i32
      %lt3A_319 = arith.constant 0 : i32
      %lt3A_320 = arith.cmpi slt, %rem3A_316, %lt3A_319 : i32
      %lt3A_321 = arith.constant 0 : i32
      %lt3A_322 = arith.cmpi slt, %select_n3A_315, %lt3A_321 : i32
      %ne3A_323 = arith.xori %lt3A_320, %lt3A_322 : i1
      %and3A_324 = arith.andi %ne3A_323, %ne3A_318 : i1
      %add3A_325 = arith.addi %rem3A_316, %select_n3A_315 : i32
      %select_n3A_326 = arith.select %and3A_324, %add3A_325, %rem3A_316 : i32
      %mul3A_327 = arith.constant 16 : i32
      %mul3A_328 = arith.muli %select_n3A_326, %mul3A_327 : i32
      %get3A_329 = arith.constant 1 : i32
      %get3A_330 = arith.index_cast %get3A_329 : i32 to index
      %get3A_331 = arith.index_cast %select_n3A_310 : i32 to index
      %get3A_332 = arith.index_cast %mul3A_328 : i32 to index
      %get3A_333 = tpu.vector_load %arg7[%get3A_330, %get3A_331, %get3A_332] {strides = array<i32>} : memref<2x24x384xf32, #tpu.memory_space<vmem>>, vector<1x1x16xf32>,
      %get3A_334 = vector.shape_cast %get3A_333 : vector<1x1x16xf32> to vector<16xf32>
      %get3A_335 = arith.constant 1 : i32
      %get3A_336 = arith.index_cast %get3A_335 : i32 to index
      %get3A_337 = arith.index_cast %select_n3A_310 : i32 to index
      %get3A_338 = arith.index_cast %mul3A_328 : i32 to index
      %get3A_339 = tpu.vector_load %arg8[%get3A_336, %get3A_337, %get3A_338] {strides = array<i32>} : memref<2x24x384xf32, #tpu.memory_space<vmem>>, vector<1x1x16xf32>,
      %get3A_340 = vector.shape_cast %get3A_339 : vector<1x1x16xf32> to vector<16xf32>
      %get3A_341 = arith.constant 1 : i32
      %get3A_342 = arith.index_cast %get3A_341 : i32 to index
      %get3A_343 = arith.index_cast %select_n3A_310 : i32 to index
      %get3A_344 = arith.index_cast %mul3A_328 : i32 to index
      %get3A_345 = tpu.vector_load %arg9[%get3A_342, %get3A_343, %get3A_344] {strides = array<i32>} : memref<2x24x384xf32, #tpu.memory_space<vmem>>, vector<1x1x16xf32>,
      %get3A_346 = vector.shape_cast %get3A_345 : vector<1x1x16xf32> to vector<16xf32>
      %mul3A_347 = arith.mulf %get3A_334, %select_n3A_259 : vector<16xf32>
      %abs3A = math.absf %mul3A_347 : vector<16xf32>
      %max3A = arith.constant 0.000000e+00 : f32
      %max3A_348 = vector.broadcast %max3A : f32 to vector<16xf32>
      %max3A_349 = arith.maximumf %mul3A_347, %max3A_348 : vector<16xf32>
      %neg3A = arith.constant 0.000000e+00 : f32
      %neg3A_350 = vector.broadcast %neg3A : f32 to vector<16xf32>
      %neg3A_351 = arith.subf %neg3A_350, %abs3A : vector<16xf32>
      %exp3A = math.exp %neg3A_351 : vector<16xf32>
      %mul3A_352 = arith.constant 0.0410640687 : f32
      %mul3A_353 = vector.broadcast %mul3A_352 : f32 to vector<16xf32>
      %mul3A_354 = arith.mulf %mul3A_353, %exp3A : vector<16xf32>
      %add3A_355 = arith.constant -0.156026945 : f32
      %add3A_356 = vector.broadcast %add3A_355 : f32 to vector<16xf32>
      %add3A_357 = arith.addf %mul3A_354, %add3A_356 : vector<16xf32>
      %mul3A_358 = arith.mulf %add3A_357, %exp3A : vector<16xf32>
      %add3A_359 = arith.constant 0.30467087 : f32
      %add3A_360 = vector.broadcast %add3A_359 : f32 to vector<16xf32>
      %add3A_361 = arith.addf %mul3A_358, %add3A_360 : vector<16xf32>
      %mul3A_362 = arith.mulf %add3A_361, %exp3A : vector<16xf32>
      %add3A_363 = arith.constant -0.496367753 : f32
      %add3A_364 = vector.broadcast %add3A_363 : f32 to vector<16xf32>
      %add3A_365 = arith.addf %mul3A_362, %add3A_364 : vector<16xf32>
      %mul3A_366 = arith.mulf %add3A_365, %exp3A : vector<16xf32>
      %add3A_367 = arith.constant 0.999887883 : f32
      %add3A_368 = vector.broadcast %add3A_367 : f32 to vector<16xf32>
      %add3A_369 = arith.addf %mul3A_366, %add3A_368 : vector<16xf32>
      %mul3A_370 = arith.mulf %add3A_369, %exp3A : vector<16xf32>
      %add3A_371 = arith.addf %max3A_349, %mul3A_370 : vector<16xf32>
      %min3A = arith.minimumf %get3A_340, %get3A_346 : vector<16xf32>
      %gt3A = arith.constant 5.000000e-01 : f32
      %gt3A_372 = vector.broadcast %gt3A : f32 to vector<16xf32>
      %gt3A_373 = arith.cmpf ogt, %min3A, %gt3A_372 : vector<16xf32>
      %jit3A_374 = arith.constant 0.000000e+00 : f32
      %broadcast_in_dim3A_375 = vector.broadcast %jit3A_374 : f32 to vector<16xf32>
      %select_n3A_376 = arith.select %gt3A_373, %add3A_371, %broadcast_in_dim3A_375 : vector<16xi1>, vector<16xf32>
      %add3A_377 = arith.addf %scan3A_285, %select_n3A_376 : vector<16xf32>
      %jit3A_378 = arith.constant 1.000000e+00 : f32
      %jit3A_379 = arith.constant 0.000000e+00 : f32
      %broadcast_in_dim3A_380 = vector.broadcast %jit3A_378 : f32 to vector<16xf32>
      %broadcast_in_dim3A_381 = vector.broadcast %jit3A_379 : f32 to vector<16xf32>
      %select_n3A_382 = arith.select %gt3A_373, %broadcast_in_dim3A_380, %broadcast_in_dim3A_381 : vector<16xi1>, vector<16xf32>
      %add3A_383 = arith.addf %scan3A_286, %select_n3A_382 : vector<16xf32>
      scf.yield %add3A_377, %add3A_383 : vector<16xf32>, vector<16xf32>
    }
    %scan3A_272 = arith.constant 576 : i32
    %mul3A_273 = arith.mulf %scan3A_271#0, %select_n3A_264 : vector<16xf32>
    %add3A_274 = arith.addf %add3A_174, %mul3A_273 : vector<16xf32>
    %add3A_275 = arith.addf %add3A_175, %scan3A_271#1 : vector<16xf32>
    %swap3A = arith.constant 0 : index
    %swap3A_276 = tpu.vector_load %arg11[%swap3A] {strides = array<i32>} : memref<16xf32, #tpu.memory_space<vmem>>, vector<16xf32>,
    %swap3A_277 = vector.shape_cast %swap3A_276 : vector<16xf32> to vector<16xf32>
    %swap3A_278 = vector.shape_cast %add3A_274 : vector<16xf32> to vector<16xf32>
    tpu.vector_store %arg11[%swap3A], %swap3A_278 {strides = array<i32>} : memref<16xf32, #tpu.memory_space<vmem>>, vector<16xf32>,
    %run_scoped3A = arith.constant 0 : i32
    "tpu.region"() ({
      %run_scoped3A_284 = tpu.sem_alloc : memref<!tpu.dma_semaphore, #tpu.memory_space<semaphore_mem>>
      %dma_start3A_285 = arith.constant 0 : i32
      %dma_start3A_286 = tpu.memref_slice %arg6[%run_scoped3A, %add3A, %dma_start3A_285] : memref<2x32x16xf32, #tpu.memory_space<hbm>> -> memref<1x1x16xf32, #tpu.memory_space<hbm>>
      %dma_start3A_287 = tpu.memref_squeeze %dma_start3A_286 : memref<1x1x16xf32, #tpu.memory_space<hbm>> -> memref<16xf32, #tpu.memory_space<hbm>>
      %dma_start3A_288 = arith.constant 0 : i32
      %dma_start3A_289 = tpu.memref_slice %arg6[%run_scoped3A, %add3A, %dma_start3A_288] : memref<2x32x16xf32, #tpu.memory_space<hbm>> -> memref<1x1x16xf32, #tpu.memory_space<hbm>>
      %dma_start3A_290 = tpu.memref_squeeze %dma_start3A_289 : memref<1x1x16xf32, #tpu.memory_space<hbm>> -> memref<16xf32, #tpu.memory_space<hbm>>
      tpu.enqueue_dma source(%arg11 : memref<16xf32, #tpu.memory_space<vmem>>) target(%dma_start3A_290 : memref<16xf32, #tpu.memory_space<hbm>>) target_semaphore(%run_scoped3A_284 : memref<!tpu.dma_semaphore, #tpu.memory_space<semaphore_mem>>)
      %dma_wait3A_291 = arith.constant 0 : i32
      %dma_wait3A_292 = tpu.memref_slice %arg6[%run_scoped3A, %add3A, %dma_wait3A_291] : memref<2x32x16xf32, #tpu.memory_space<hbm>> -> memref<1x1x16xf32, #tpu.memory_space<hbm>>
      %dma_wait3A_293 = tpu.memref_squeeze %dma_wait3A_292 : memref<1x1x16xf32, #tpu.memory_space<hbm>> -> memref<16xf32, #tpu.memory_space<hbm>>
      %dma_wait3A_294 = arith.constant 0 : i32
      %dma_wait3A_295 = tpu.memref_slice %arg6[%run_scoped3A, %add3A, %dma_wait3A_294] : memref<2x32x16xf32, #tpu.memory_space<hbm>> -> memref<1x1x16xf32, #tpu.memory_space<hbm>>
      %dma_wait3A_296 = tpu.memref_squeeze %dma_wait3A_295 : memref<1x1x16xf32, #tpu.memory_space<hbm>> -> memref<16xf32, #tpu.memory_space<hbm>>
      tpu.wait_dma2 semaphore(%run_scoped3A_284 : memref<!tpu.dma_semaphore, #tpu.memory_space<semaphore_mem>>) src(%arg11 : memref<16xf32, #tpu.memory_space<vmem>>) dst(%dma_wait3A_296 : memref<16xf32, #tpu.memory_space<hbm>>)
      tpu.yield
    }) : () -> ()
    %swap3A_279 = arith.constant 0 : index
    %swap3A_280 = tpu.vector_load %arg11[%swap3A_279] {strides = array<i32>} : memref<16xf32, #tpu.memory_space<vmem>>, vector<16xf32>,
    %swap3A_281 = vector.shape_cast %swap3A_280 : vector<16xf32> to vector<16xf32>
    %swap3A_282 = vector.shape_cast %add3A_275 : vector<16xf32> to vector<16xf32>
    tpu.vector_store %arg11[%swap3A_279], %swap3A_282 {strides = array<i32>} : memref<16xf32, #tpu.memory_space<vmem>>, vector<16xf32>,
    %run_scoped3A_283 = arith.constant 1 : i32
    "tpu.region"() ({
      %run_scoped3A_284 = tpu.sem_alloc : memref<!tpu.dma_semaphore, #tpu.memory_space<semaphore_mem>>
      %dma_start3A_285 = arith.constant 0 : i32
      %dma_start3A_286 = tpu.memref_slice %arg6[%run_scoped3A_283, %add3A, %dma_start3A_285] : memref<2x32x16xf32, #tpu.memory_space<hbm>> -> memref<1x1x16xf32, #tpu.memory_space<hbm>>
      %dma_start3A_287 = tpu.memref_squeeze %dma_start3A_286 : memref<1x1x16xf32, #tpu.memory_space<hbm>> -> memref<16xf32, #tpu.memory_space<hbm>>
      %dma_start3A_288 = arith.constant 0 : i32
      %dma_start3A_289 = tpu.memref_slice %arg6[%run_scoped3A_283, %add3A, %dma_start3A_288] : memref<2x32x16xf32, #tpu.memory_space<hbm>> -> memref<1x1x16xf32, #tpu.memory_space<hbm>>
      %dma_start3A_290 = tpu.memref_squeeze %dma_start3A_289 : memref<1x1x16xf32, #tpu.memory_space<hbm>> -> memref<16xf32, #tpu.memory_space<hbm>>
      tpu.enqueue_dma source(%arg11 : memref<16xf32, #tpu.memory_space<vmem>>) target(%dma_start3A_290 : memref<16xf32, #tpu.memory_space<hbm>>) target_semaphore(%run_scoped3A_284 : memref<!tpu.dma_semaphore, #tpu.memory_space<semaphore_mem>>)
      %dma_wait3A_291 = arith.constant 0 : i32
      %dma_wait3A_292 = tpu.memref_slice %arg6[%run_scoped3A_283, %add3A, %dma_wait3A_291] : memref<2x32x16xf32, #tpu.memory_space<hbm>> -> memref<1x1x16xf32, #tpu.memory_space<hbm>>
      %dma_wait3A_293 = tpu.memref_squeeze %dma_wait3A_292 : memref<1x1x16xf32, #tpu.memory_space<hbm>> -> memref<16xf32, #tpu.memory_space<hbm>>
      %dma_wait3A_294 = arith.constant 0 : i32
      %dma_wait3A_295 = tpu.memref_slice %arg6[%run_scoped3A_283, %add3A, %dma_wait3A_294] : memref<2x32x16xf32, #tpu.memory_space<hbm>> -> memref<1x1x16xf32, #tpu.memory_space<hbm>>
      %dma_wait3A_296 = tpu.memref_squeeze %dma_wait3A_295 : memref<1x1x16xf32, #tpu.memory_space<hbm>> -> memref<16xf32, #tpu.memory_space<hbm>>
      tpu.wait_dma2 semaphore(%run_scoped3A_284 : memref<!tpu.dma_semaphore, #tpu.memory_space<semaphore_mem>>) src(%arg11 : memref<16xf32, #tpu.memory_space<vmem>>) dst(%dma_wait3A_296 : memref<16xf32, #tpu.memory_space<hbm>>)
      tpu.yield
    }) : () -> ()
    return
  }
}

module attributes {stable_mosaic.version = 14 : i64} {
  func.func @_tc_body(%arg0: i32, %arg1: memref<16xi32, #tpu.memory_space<smem>>, %arg2: memref<768x384xf32, #tpu.memory_space<vmem>>, %arg3: memref<768x384xf32, #tpu.memory_space<vmem>>, %arg4: memref<768x384xf32, #tpu.memory_space<vmem>>, %arg5: memref<1x1xf32, #tpu.memory_space<smem>>, %arg6: memref<1x1xf32, #tpu.memory_space<smem>>) attributes {dimension_semantics = [#tpu.dimension_semantics<arbitrary>], iteration_bounds = array<i64: 6>, scalar_prefetch = 1 : i64, scratch_operands = 0 : i64, tpu.core_type = #tpu.core_type<tc>, window_params = [{transform_indices = @transform_0, window_bounds = array<i64: 768, 384>}, {transform_indices = @transform_1, window_bounds = array<i64: 768, 384>}, {transform_indices = @transform_2, window_bounds = array<i64: 768, 384>}, {transform_indices = @transform_3, window_bounds = array<i64: 1, 1>}, {transform_indices = @transform_4, window_bounds = array<i64: 1, 1>}]} {
    %mul3A = arith.constant 2 : i32
    %mul3A_0 = arith.muli %arg0, %mul3A : i32
    %add3A = arith.constant 0 : i32
    %add3A_1 = arith.addi %mul3A_0, %add3A : i32
    %get3A = arith.index_cast %add3A_1 : i32 to index
    %get3A_2 = memref.load %arg1[%get3A] : memref<16xi32, #tpu.memory_space<smem>>
    %eq3A = arith.constant 1 : i32
    %eq3A_3 = arith.cmpi eq, %get3A_2, %eq3A : i32
    %jit3A = arith.constant -1.000000e+00 : f32
    %jit3A_4 = arith.constant 1.000000e+00 : f32
    %select_n3A = arith.select %eq3A_3, %jit3A, %jit3A_4 : f32
    %eq3A_5 = arith.constant 1 : i32
    %eq3A_6 = arith.cmpi eq, %get3A_2, %eq3A_5 : i32
    %jit3A_7 = arith.constant 2.000000e+00 : f32
    %jit3A_8 = arith.constant 1.000000e+00 : f32
    %select_n3A_9 = arith.select %eq3A_6, %jit3A_7, %jit3A_8 : f32
    %get3A_10 = arith.constant 0 : index
    %get3A_11 = arith.constant 0 : index
    %get3A_12 = vector.load %arg2[%get3A_10, %get3A_11] : memref<768x384xf32, #tpu.memory_space<vmem>>, vector<384x384xf32>
    %mul3A_13 = vector.broadcast %select_n3A : f32 to vector<384x384xf32>
    %mul3A_14 = arith.mulf %get3A_12, %mul3A_13 : vector<384x384xf32>
    %max3A = arith.constant 0.000000e+00 : f32
    %max3A_15 = vector.broadcast %max3A : f32 to vector<384x384xf32>
    %max3A_16 = arith.maximumf %mul3A_14, %max3A_15 : vector<384x384xf32>
    %abs3A = math.absf %mul3A_14 : vector<384x384xf32>
    %neg3A = arith.constant 0.000000e+00 : f32
    %neg3A_17 = vector.broadcast %neg3A : f32 to vector<384x384xf32>
    %neg3A_18 = arith.subf %neg3A_17, %abs3A : vector<384x384xf32>
    %exp3A = math.exp %neg3A_18 : vector<384x384xf32>
    %log1p3A = math.log1p %exp3A : vector<384x384xf32>
    %add3A_19 = arith.addf %max3A_16, %log1p3A : vector<384x384xf32>
    %get3A_20 = arith.constant 0 : index
    %get3A_21 = arith.constant 0 : index
    %get3A_22 = vector.load %arg3[%get3A_20, %get3A_21] : memref<768x384xf32, #tpu.memory_space<vmem>>, vector<384x384xf32>
    %gt3A = arith.constant 5.000000e-01 : f32
    %gt3A_23 = vector.broadcast %gt3A : f32 to vector<384x384xf32>
    %gt3A_24 = arith.cmpf ogt, %get3A_22, %gt3A_23 : vector<384x384xf32>
    %get3A_25 = arith.constant 0 : index
    %get3A_26 = arith.constant 0 : index
    %get3A_27 = vector.load %arg4[%get3A_25, %get3A_26] : memref<768x384xf32, #tpu.memory_space<vmem>>, vector<384x384xf32>
    %gt3A_28 = arith.constant 5.000000e-01 : f32
    %gt3A_29 = vector.broadcast %gt3A_28 : f32 to vector<384x384xf32>
    %gt3A_30 = arith.cmpf ogt, %get3A_27, %gt3A_29 : vector<384x384xf32>
    %and3A = arith.andi %gt3A_24, %gt3A_30 : vector<384x384xi1>
    %jit3A_31 = arith.constant 0.000000e+00 : f32
    %broadcast_in_dim3A = vector.broadcast %jit3A_31 : f32 to vector<384x384xf32>
    %select_n3A_32 = arith.select %and3A, %add3A_19, %broadcast_in_dim3A : vector<384x384xi1>, vector<384x384xf32>
    %reduce_sum3A = vector.shape_cast %select_n3A_32 : vector<384x384xf32> to vector<1x384x384xf32>
    %reduce_sum3A_33 = arith.constant dense<0.000000e+00> : vector<1xf32>
    %reduce_sum3A_34 = vector.multi_reduction <add>, %reduce_sum3A, %reduce_sum3A_33 [1, 2] : vector<1x384x384xf32> to vector<1xf32>
    %reduce_sum3A_35 = vector.shape_cast %reduce_sum3A_34 : vector<1xf32> to vector<1x1x1xf32>
    %reduce_sum3A_36 = vector.extract %reduce_sum3A_35[0, 0, 0] : f32 from vector<1x1x1xf32>
    %mul3A_37 = arith.mulf %reduce_sum3A_36, %select_n3A_9 : f32
    %add3A_38 = arith.constant 0.000000e+00 : f32
    %add3A_39 = arith.addf %add3A_38, %mul3A_37 : f32
    %jit3A_40 = arith.constant 1.000000e+00 : f32
    %jit3A_41 = arith.constant 0.000000e+00 : f32
    %broadcast_in_dim3A_42 = vector.broadcast %jit3A_40 : f32 to vector<384x384xf32>
    %broadcast_in_dim3A_43 = vector.broadcast %jit3A_41 : f32 to vector<384x384xf32>
    %select_n3A_44 = arith.select %and3A, %broadcast_in_dim3A_42, %broadcast_in_dim3A_43 : vector<384x384xi1>, vector<384x384xf32>
    %reduce_sum3A_45 = vector.shape_cast %select_n3A_44 : vector<384x384xf32> to vector<1x384x384xf32>
    %reduce_sum3A_46 = arith.constant dense<0.000000e+00> : vector<1xf32>
    %reduce_sum3A_47 = vector.multi_reduction <add>, %reduce_sum3A_45, %reduce_sum3A_46 [1, 2] : vector<1x384x384xf32> to vector<1xf32>
    %reduce_sum3A_48 = vector.shape_cast %reduce_sum3A_47 : vector<1xf32> to vector<1x1x1xf32>
    %reduce_sum3A_49 = vector.extract %reduce_sum3A_48[0, 0, 0] : f32 from vector<1x1x1xf32>
    %add3A_50 = arith.constant 0.000000e+00 : f32
    %add3A_51 = arith.addf %add3A_50, %reduce_sum3A_49 : f32
    %mul3A_52 = arith.constant 2 : i32
    %mul3A_53 = arith.muli %arg0, %mul3A_52 : i32
    %add3A_54 = arith.constant 1 : i32
    %add3A_55 = arith.addi %mul3A_53, %add3A_54 : i32
    %get3A_56 = arith.index_cast %add3A_55 : i32 to index
    %get3A_57 = memref.load %arg1[%get3A_56] : memref<16xi32, #tpu.memory_space<smem>>
    %eq3A_58 = arith.constant 1 : i32
    %eq3A_59 = arith.cmpi eq, %get3A_57, %eq3A_58 : i32
    %jit3A_60 = arith.constant -1.000000e+00 : f32
    %jit3A_61 = arith.constant 1.000000e+00 : f32
    %select_n3A_62 = arith.select %eq3A_59, %jit3A_60, %jit3A_61 : f32
    %eq3A_63 = arith.constant 1 : i32
    %eq3A_64 = arith.cmpi eq, %get3A_57, %eq3A_63 : i32
    %jit3A_65 = arith.constant 2.000000e+00 : f32
    %jit3A_66 = arith.constant 1.000000e+00 : f32
    %select_n3A_67 = arith.select %eq3A_64, %jit3A_65, %jit3A_66 : f32
    %get3A_68 = arith.constant 384 : index
    %get3A_69 = arith.constant 0 : index
    %get3A_70 = vector.load %arg2[%get3A_68, %get3A_69] : memref<768x384xf32, #tpu.memory_space<vmem>>, vector<384x384xf32>
    %mul3A_71 = vector.broadcast %select_n3A_62 : f32 to vector<384x384xf32>
    %mul3A_72 = arith.mulf %get3A_70, %mul3A_71 : vector<384x384xf32>
    %max3A_73 = arith.constant 0.000000e+00 : f32
    %max3A_74 = vector.broadcast %max3A_73 : f32 to vector<384x384xf32>
    %max3A_75 = arith.maximumf %mul3A_72, %max3A_74 : vector<384x384xf32>
    %abs3A_76 = math.absf %mul3A_72 : vector<384x384xf32>
    %neg3A_77 = arith.constant 0.000000e+00 : f32
    %neg3A_78 = vector.broadcast %neg3A_77 : f32 to vector<384x384xf32>
    %neg3A_79 = arith.subf %neg3A_78, %abs3A_76 : vector<384x384xf32>
    %exp3A_80 = math.exp %neg3A_79 : vector<384x384xf32>
    %log1p3A_81 = math.log1p %exp3A_80 : vector<384x384xf32>
    %add3A_82 = arith.addf %max3A_75, %log1p3A_81 : vector<384x384xf32>
    %get3A_83 = arith.constant 384 : index
    %get3A_84 = arith.constant 0 : index
    %get3A_85 = vector.load %arg3[%get3A_83, %get3A_84] : memref<768x384xf32, #tpu.memory_space<vmem>>, vector<384x384xf32>
    %gt3A_86 = arith.constant 5.000000e-01 : f32
    %gt3A_87 = vector.broadcast %gt3A_86 : f32 to vector<384x384xf32>
    %gt3A_88 = arith.cmpf ogt, %get3A_85, %gt3A_87 : vector<384x384xf32>
    %get3A_89 = arith.constant 384 : index
    %get3A_90 = arith.constant 0 : index
    %get3A_91 = vector.load %arg4[%get3A_89, %get3A_90] : memref<768x384xf32, #tpu.memory_space<vmem>>, vector<384x384xf32>
    %gt3A_92 = arith.constant 5.000000e-01 : f32
    %gt3A_93 = vector.broadcast %gt3A_92 : f32 to vector<384x384xf32>
    %gt3A_94 = arith.cmpf ogt, %get3A_91, %gt3A_93 : vector<384x384xf32>
    %and3A_95 = arith.andi %gt3A_88, %gt3A_94 : vector<384x384xi1>
    %jit3A_96 = arith.constant 0.000000e+00 : f32
    %broadcast_in_dim3A_97 = vector.broadcast %jit3A_96 : f32 to vector<384x384xf32>
    %select_n3A_98 = arith.select %and3A_95, %add3A_82, %broadcast_in_dim3A_97 : vector<384x384xi1>, vector<384x384xf32>
    %reduce_sum3A_99 = vector.shape_cast %select_n3A_98 : vector<384x384xf32> to vector<1x384x384xf32>
    %reduce_sum3A_100 = arith.constant dense<0.000000e+00> : vector<1xf32>
    %reduce_sum3A_101 = vector.multi_reduction <add>, %reduce_sum3A_99, %reduce_sum3A_100 [1, 2] : vector<1x384x384xf32> to vector<1xf32>
    %reduce_sum3A_102 = vector.shape_cast %reduce_sum3A_101 : vector<1xf32> to vector<1x1x1xf32>
    %reduce_sum3A_103 = vector.extract %reduce_sum3A_102[0, 0, 0] : f32 from vector<1x1x1xf32>
    %mul3A_104 = arith.mulf %reduce_sum3A_103, %select_n3A_67 : f32
    %add3A_105 = arith.addf %add3A_39, %mul3A_104 : f32
    %jit3A_106 = arith.constant 1.000000e+00 : f32
    %jit3A_107 = arith.constant 0.000000e+00 : f32
    %broadcast_in_dim3A_108 = vector.broadcast %jit3A_106 : f32 to vector<384x384xf32>
    %broadcast_in_dim3A_109 = vector.broadcast %jit3A_107 : f32 to vector<384x384xf32>
    %select_n3A_110 = arith.select %and3A_95, %broadcast_in_dim3A_108, %broadcast_in_dim3A_109 : vector<384x384xi1>, vector<384x384xf32>
    %reduce_sum3A_111 = vector.shape_cast %select_n3A_110 : vector<384x384xf32> to vector<1x384x384xf32>
    %reduce_sum3A_112 = arith.constant dense<0.000000e+00> : vector<1xf32>
    %reduce_sum3A_113 = vector.multi_reduction <add>, %reduce_sum3A_111, %reduce_sum3A_112 [1, 2] : vector<1x384x384xf32> to vector<1xf32>
    %reduce_sum3A_114 = vector.shape_cast %reduce_sum3A_113 : vector<1xf32> to vector<1x1x1xf32>
    %reduce_sum3A_115 = vector.extract %reduce_sum3A_114[0, 0, 0] : f32 from vector<1x1x1xf32>
    %add3A_116 = arith.addf %add3A_51, %reduce_sum3A_115 : f32
    %eq3A_117 = arith.constant 0 : i32
    %eq3A_118 = arith.cmpi eq, %arg0, %eq3A_117 : i32
    %convert_element_type3A = arith.extui %eq3A_118 : i1 to i32
    %cond3A = arith.constant 0 : i32
    %cond3A_119 = arith.cmpi ne, %convert_element_type3A, %cond3A : i32
    scf.if %cond3A_119 {
      %swap3A_133 = arith.constant 0.000000e+00 : f32
      %swap3A_134 = arith.constant 0 : index
      %swap3A_135 = arith.constant 0 : index
      %swap3A_136 = memref.load %arg5[%swap3A_134, %swap3A_135] : memref<1x1xf32, #tpu.memory_space<smem>>
      memref.store %swap3A_133, %arg5[%swap3A_134, %swap3A_135] : memref<1x1xf32, #tpu.memory_space<smem>>
      %swap3A_137 = arith.constant 0.000000e+00 : f32
      %swap3A_138 = arith.constant 0 : index
      %swap3A_139 = arith.constant 0 : index
      %swap3A_140 = memref.load %arg6[%swap3A_138, %swap3A_139] : memref<1x1xf32, #tpu.memory_space<smem>>
      memref.store %swap3A_137, %arg6[%swap3A_138, %swap3A_139] : memref<1x1xf32, #tpu.memory_space<smem>>
    } else {
    }
    %get3A_120 = arith.constant 0 : index
    %get3A_121 = arith.constant 0 : index
    %get3A_122 = memref.load %arg5[%get3A_120, %get3A_121] : memref<1x1xf32, #tpu.memory_space<smem>>
    %add3A_123 = arith.addf %get3A_122, %add3A_105 : f32
    %swap3A = arith.constant 0 : index
    %swap3A_124 = arith.constant 0 : index
    %swap3A_125 = memref.load %arg5[%swap3A, %swap3A_124] : memref<1x1xf32, #tpu.memory_space<smem>>
    memref.store %add3A_123, %arg5[%swap3A, %swap3A_124] : memref<1x1xf32, #tpu.memory_space<smem>>
    %get3A_126 = arith.constant 0 : index
    %get3A_127 = arith.constant 0 : index
    %get3A_128 = memref.load %arg6[%get3A_126, %get3A_127] : memref<1x1xf32, #tpu.memory_space<smem>>
    %add3A_129 = arith.addf %get3A_128, %add3A_116 : f32
    %swap3A_130 = arith.constant 0 : index
    %swap3A_131 = arith.constant 0 : index
    %swap3A_132 = memref.load %arg6[%swap3A_130, %swap3A_131] : memref<1x1xf32, #tpu.memory_space<smem>>
    memref.store %add3A_129, %arg6[%swap3A_130, %swap3A_131] : memref<1x1xf32, #tpu.memory_space<smem>>
    return
  }
  func.func @transform_0(%arg0: i32, %arg1: memref<16xi32, #tpu.memory_space<smem>>) -> (i32, i32) {
    %c0_i32 = arith.constant 0 : i32
    %c0_i32_0 = arith.constant 0 : i32
    return %arg0, %c0_i32 : i32, i32
  }
  func.func @transform_1(%arg0: i32, %arg1: memref<16xi32, #tpu.memory_space<smem>>) -> (i32, i32) {
    %c0_i32 = arith.constant 0 : i32
    %c0_i32_0 = arith.constant 0 : i32
    return %arg0, %c0_i32 : i32, i32
  }
  func.func @transform_2(%arg0: i32, %arg1: memref<16xi32, #tpu.memory_space<smem>>) -> (i32, i32) {
    %c0_i32 = arith.constant 0 : i32
    %c0_i32_0 = arith.constant 0 : i32
    return %arg0, %c0_i32 : i32, i32
  }
  func.func @transform_3(%arg0: i32, %arg1: memref<16xi32, #tpu.memory_space<smem>>) -> (i32, i32) {
    %c0_i32 = arith.constant 0 : i32
    %c0_i32_0 = arith.constant 0 : i32
    %c0_i32_1 = arith.constant 0 : i32
    return %c0_i32, %c0_i32_0 : i32, i32
  }
  func.func @transform_4(%arg0: i32, %arg1: memref<16xi32, #tpu.memory_space<smem>>) -> (i32, i32) {
    %c0_i32 = arith.constant 0 : i32
    %c0_i32_0 = arith.constant 0 : i32
    %c0_i32_1 = arith.constant 0 : i32
    return %c0_i32, %c0_i32_0 : i32, i32
  }
}

module attributes {stable_mosaic.version = 14 : i64} {
  func.func @_combine_body(%arg0: memref<2x32x16xf32, #tpu.memory_space<vmem>>, %arg1: memref<1x1xf32, #tpu.memory_space<smem>>, %arg2: memref<1x1xf32, #tpu.memory_space<smem>>, %arg3: memref<1x1xf32, #tpu.memory_space<smem>>) attributes {dimension_semantics = [], scalar_prefetch = 0 : i64, scratch_operands = 0 : i64, tpu.core_type = #tpu.core_type<tc>} {
    %get3A = arith.constant 0 : index
    %get3A_0 = arith.constant 0 : index
    %get3A_1 = arith.constant 0 : index
    %get3A_2 = vector.load %arg0[%get3A, %get3A_0, %get3A_1] : memref<2x32x16xf32, #tpu.memory_space<vmem>>, vector<2x32x16xf32>
    %slice3A = vector.extract_strided_slice %get3A_2 {offsets = [0, 0, 0], sizes = [1, 32, 16], strides = [1, 1, 1]} : vector<2x32x16xf32> to vector<1x32x16xf32>
    %squeeze3A = vector.shape_cast %slice3A : vector<1x32x16xf32> to vector<32x16xf32>
    %reduce_sum3A = vector.shape_cast %squeeze3A : vector<32x16xf32> to vector<1x32x16xf32>
    %reduce_sum3A_3 = arith.constant dense<0.000000e+00> : vector<1xf32>
    %reduce_sum3A_4 = vector.multi_reduction <add>, %reduce_sum3A, %reduce_sum3A_3 [1, 2] : vector<1x32x16xf32> to vector<1xf32>
    %reduce_sum3A_5 = vector.shape_cast %reduce_sum3A_4 : vector<1xf32> to vector<1x1x1xf32>
    %reduce_sum3A_6 = vector.extract %reduce_sum3A_5[0, 0, 0] : f32 from vector<1x1x1xf32>
    %get3A_7 = arith.constant 0 : index
    %get3A_8 = arith.constant 0 : index
    %get3A_9 = memref.load %arg1[%get3A_7, %get3A_8] : memref<1x1xf32, #tpu.memory_space<smem>>
    %add3A = arith.addf %reduce_sum3A_6, %get3A_9 : f32
    %slice3A_10 = vector.extract_strided_slice %get3A_2 {offsets = [1, 0, 0], sizes = [1, 32, 16], strides = [1, 1, 1]} : vector<2x32x16xf32> to vector<1x32x16xf32>
    %squeeze3A_11 = vector.shape_cast %slice3A_10 : vector<1x32x16xf32> to vector<32x16xf32>
    %reduce_sum3A_12 = vector.shape_cast %squeeze3A_11 : vector<32x16xf32> to vector<1x32x16xf32>
    %reduce_sum3A_13 = arith.constant dense<0.000000e+00> : vector<1xf32>
    %reduce_sum3A_14 = vector.multi_reduction <add>, %reduce_sum3A_12, %reduce_sum3A_13 [1, 2] : vector<1x32x16xf32> to vector<1xf32>
    %reduce_sum3A_15 = vector.shape_cast %reduce_sum3A_14 : vector<1xf32> to vector<1x1x1xf32>
    %reduce_sum3A_16 = vector.extract %reduce_sum3A_15[0, 0, 0] : f32 from vector<1x1x1xf32>
    %get3A_17 = arith.constant 0 : index
    %get3A_18 = arith.constant 0 : index
    %get3A_19 = memref.load %arg2[%get3A_17, %get3A_18] : memref<1x1xf32, #tpu.memory_space<smem>>
    %add3A_20 = arith.addf %reduce_sum3A_16, %get3A_19 : f32
    %div3A = arith.divf %add3A, %add3A_20 : f32
    %swap3A = arith.constant 0 : index
    %swap3A_21 = arith.constant 0 : index
    %swap3A_22 = memref.load %arg3[%swap3A, %swap3A_21] : memref<1x1xf32, #tpu.memory_space<smem>>
    memref.store %div3A, %arg3[%swap3A, %swap3A_21] : memref<1x1xf32, #tpu.memory_space<smem>>
    return
  }
}

</mosaic_0001>

<sc_bundles>
// kernel: kernel.5.cloned.1.call-start
scs
__scs_entry_jumppad:
0x0: {  	(pc) =	sbr.rel $0x88, $3  }
0x1: {  	(tag) =	ssettag $0x0;
	lr =	simm.s32 $0x1  }
0x2: {  	[smem:$0x3F9D] =	sst lr;
	_ =	strace $0xD0000000  }
0x3: {  	_ = 	snop  }
0x4: {  	_ = 	snop  }
0x5: {  	_ = 	snop  }
0x6: {  	_ = 	snop  }
0x7: {  	_ = 	snop  }
__scs_overlays_trampoline_lowered:
0x8: {  	[smem:$0x3FAC] =	sst s0  }
0x9: {  	[smem:$0x3FAD] =	sst s1  }
0xa: {  	[smem:$0x3FAE] =	sst s2  }
0xb: {  	[smem:$0x3FAF] =	sst s3  }
0xc: {  	[smem:$0x3FB0] =	sst s4  }
0xd: {  	[smem:$0x3FB1] =	sst s5  }
0xe: {  	[smem:$0x3FB2] =	sst s6  }
0xf: {  	[smem:$0x3FB3] =	sst s7  }
0x10: {  	[smem:$0x3FB4] =	sst s8  }
0x11: {  	[smem:$0x3FB5] =	sst s9;
	s0 =	simm.s32 @!p0 $0x0  }
0x12: {  	s1 =	sld [smem:$0x3F9B];
	s0 =	simm.s32 @p0 $0x1  }
0x13: {  	[smem:$0x3FB6] =	sst s0;
	s0 =	simm.s32 @!p1 $0x0  }
0x14: {  	s2 =	sld [smem:$0x3F9A];
	s0 =	simm.s32 @p1 $0x1  }
0x15: {  	[smem:$0x3FB7] =	sst s0;
	s0 =	simm.s32 @!p2 $0x0  }
0x16: {  	s3 =	sld [smem:$0x3FDB];
	s0 =	simm.s32 @p2 $0x1  }
0x17: {  	s4 =	simm.s32 $0x1BF5;
	[smem:$0x3FB9] =	sst s0  }
0x18: {  	s0 =	sld [smem:$0x3F9C];
	_ =	swait.ge [sflag:s4], $0x0  }
0x19: {  	s7 =	sld [smem:$0x3F9D]  }
0x1a: {  	s8 =	sadd.s32 $0xFFFFE003, lr  }
0x1b: {  	s9 =	sadd.s32 $0xFFFFFEF7, lr;
	s5 =	simm.s32 $0xFFFFFFFF;
	p2 =	slt.u32 s8, $0xFFFFF086  }
0x1c: {  	p1 =	slt.u32 s9, $0xF7A;
	s5 =	simm.s32 @!p2 $0x0  }
0x1d: {  	s5 =	simm.s32 @p1 $0x1;
	p0 =	seq.s32 s7, s2  }
0x1e: {  	s7 =	smul.u32 @!p0 $0xF7A, s2;
	p2 =	seq.s32 @!p0 s5, $0x0  }
0x1f: {  	s9 =	smul.u32 $0xF7A, s1;
	s8 =	simm.s32 @!p0 $0x1BF5;
	p2 =	por !p2, p0  }
0x20: {  	[sflag:s8] =	ssyncset.s32 @!p0 $0xFFFFF086;
	s6 =	sadd.s32 @!p0 s3, s7;
	s7 =	simm.s32 @!p0 $0x108  }
0x21: {  	s3 =	sadd.s32 s3, s9;
	s6 =	sadd.s32 @!p0 $0x88, s6;
	s7 =	simm.s32 @p2 $0x1082  }
0x22: {  	[simem:s7], [sflag:s8] =	dma.local @!p0 [hbm:s6], $0xF7A  }
0x23: {  	s9 =	sor.u32 $0xD0000000, s2;
	s6 =	simm.s32 $0x108;
	_ =	swait.ge @!p0 [sflag:s8], $0x0  }
0x24: {  	s3 =	sadd.s32 $0x88, s3;
	s6 =	simm.s32 @!p1 $0x1082;
	[sflag:s4] =	ssyncset.s32 $0xFFFFF086  }
0x25: {  	[simem:s6], [sflag:s4] =	dma.local [hbm:s3], $0xF7A  }
0x26: {  	[smem:$0x3F9D] =	sst s1;
	(tag) =	ssettag s2;
	_ =	strace s9  }
0x27: {  	s1 =	sld [smem:$0x3FAD]  }
0x28: {  	s2 =	sld [smem:$0x3FAE]  }
0x29: {  	s4 =	sld [smem:$0x3FB0]  }
0x2a: {  	p0 =	seq.s32 s5, $0x0;
	s5 =	sld [smem:$0x3FB1]  }
0x2b: {  	s6 =	sld [smem:$0x3FB2]  }
0x2c: {  	s7 =	sld [smem:$0x3FB3]  }
0x2d: {  	s3 =	simm.s32 $0x108;
	s8 =	sld [smem:$0x3FB4]  }
0x2e: {  	s3 =	simm.s32 @!p0 $0x1082;
	s9 =	sld [smem:$0x3FB5]  }
0x2f: {  	lr =	sadd.s32 s0, s3;
	s0 =	sld [smem:$0x3FAC]  }
0x30: {  	s3 =	sld [smem:$0x3FAF]  }
0x31: {  	[smem:$0x3FB8] =	sst s10  }
0x32: {  	s10 =	sld [smem:$0x3FB6];
	_ =	sdelay $0x3  }
0x33: {  	p0 =	seq.s32 s10, $0x1;
	s10 =	sld [smem:$0x3FB8];
	_ =	sdelay $0x3  }
0x34: {  	[smem:$0x3FB8] =	sst s10  }
0x35: {  	s10 =	sld [smem:$0x3FB7];
	_ =	sdelay $0x3  }
0x36: {  	p1 =	seq.s32 s10, $0x1;
	s10 =	sld [smem:$0x3FB8];
	_ =	sdelay $0x3  }
0x37: {  	[smem:$0x3FB8] =	sst s10  }
0x38: {  	s10 =	sld [smem:$0x3FB9]  }
0x39: {  	_ = 	snop;
	(pc) =	sbr.ind lr, $3  }
0x3a: {  	_ = 	snop  }
0x3b: {  	_ = 	snop  }
0x3c: {  	p2 =	seq.s32 s10, $0x1;
	s10 =	sld [smem:$0x3FB8]  }
0x3d: {  	_ =	shalt  }
0x3e: {  	_ =	shalt  }
0x3f: {  	_ =	shalt  }
0x40: {  	_ =	shalt  }
0x41: {  	_ =	shalt  }
0x42: {  	_ =	shalt  }
0x43: {  	_ =	shalt  }
0x44: {  	_ =	shalt  }
0x45: {  	_ =	shalt  }
0x46: {  	_ =	shalt  }
0x47: {  	_ =	shalt  }
0x48: {  	_ =	shalt  }
0x49: {  	_ =	shalt  }
0x4a: {  	_ =	shalt  }
0x4b: {  	_ =	shalt  }
0x4c: {  	_ =	shalt  }
0x4d: {  	_ =	shalt  }
0x4e: {  	_ =	shalt  }
0x4f: {  	_ =	shalt  }
0x50: {  	_ =	shalt  }
0x51: {  	_ =	shalt  }
0x52: {  	_ =	shalt  }
0x53: {  	_ =	shalt  }
0x54: {  	_ =	shalt  }
0x55: {  	_ =	shalt  }
0x56: {  	_ =	shalt  }
0x57: {  	_ =	shalt  }
0x58: {  	_ =	shalt  }
0x59: {  	_ =	shalt  }
0x5a: {  	_ =	shalt  }
0x5b: {  	_ =	shalt  }
0x5c: {  	_ =	shalt  }
0x5d: {  	_ =	shalt  }
0x5e: {  	_ =	shalt  }
0x5f: {  	_ =	shalt  }
0x60: {  	_ =	shalt  }
0x61: {  	_ =	shalt  }
0x62: {  	_ =	shalt  }
0x63: {  	_ =	shalt  }
0x64: {  	_ =	shalt  }
0x65: {  	_ =	shalt  }
0x66: {  	_ =	shalt  }
0x67: {  	_ =	shalt  }
0x68: {  	_ =	shalt  }
0x69: {  	_ =	shalt  }
0x6a: {  	_ =	shalt  }
0x6b: {  	_ =	shalt  }
0x6c: {  	_ =	shalt  }
0x6d: {  	_ =	shalt  }
0x6e: {  	_ =	shalt  }
0x6f: {  	_ =	shalt  }
0x70: {  	_ =	shalt  }
0x71: {  	_ =	shalt  }
0x72: {  	_ =	shalt  }
0x73: {  	_ =	shalt  }
0x74: {  	_ =	shalt  }
0x75: {  	_ =	shalt  }
0x76: {  	_ =	shalt  }
0x77: {  	_ =	shalt  }
0x78: {  	_ =	shalt  }
0x79: {  	_ =	shalt  }
0x7a: {  	_ =	shalt  }
0x7b: {  	_ =	shalt  }
0x7c: {  	_ =	shalt  }
0x7d: {  	_ =	shalt  }
0x7e: {  	_ =	shalt  }
0x7f: {  	_ =	shalt  }
0x80: {  	_ =	shalt  }
0x81: {  	_ =	shalt  }
0x82: {  	_ =	shalt  }
0x83: {  	_ =	shalt  }
0x84: {  	_ =	shalt  }
0x85: {  	_ =	shalt  }
0x86: {  	_ =	shalt  }
0x87: {  	_ =	shalt  }
.Lfunc_end0:
.L_simem_size_0:
called_computation_lowered:
.L_overlay_start_0:
0x88: {  	s2 =	sld [smem:$0x3FD9]  }
0x89: {  	s3 =	sld [smem:$0x3FFE];
	_ =	sdelay $0x1  }
0x8a: {  	s1 =	srdreg.scid  }
0x8b: {  	s0 =	sand.u32 $0x1, s1  }
0x8c: {  	s17 =	sshll.u32 s0, $0xA;
	s2 =	sadd.s32 s3, s2  }
0x8d: {  	s2 =	sadd.s32 s2, s17  }
0x8e: {  	[smem:$0x3FC4] =	sst s2  }
0x8f: {  	_ = 	snop  }
0x90: {  	s2 =	sld [smem:$0x3FC9]  }
0x91: {  	s18 =	sld [smem:$0x3FC8]  }
0x92: {  	s4 =	sld [smem:$0x3FC7]  }
0x93: {  	s5 =	sld [smem:$0x3FC6];
	(tm) =	ssettm $0x1  }
0x94: {  	s6 =	sld [smem:$0x3FFB];
	_ =	sdelay $0x3  }
0x95: {  	_ =	strace s6  }
0x96: {  	s6 =	sld [smem:$0x3FFC];
	_ =	sdelay $0x3  }
0x97: {  	_ =	strace s6  }
0x98: {  	s6 =	sld [smem:$0x3FFD];
	_ =	sdelay $0x3  }
0x99: {  	_ =	strace s6  }
0x9a: {  	_ =	strace $0x8FFFFFFF  }
0x9b: {  	s19 =	sld [smem:$0x3FDB];
	_ =	sdelay $0x1  }
0x9c: {  	s7 =	simm.s32 $_scs_section_size  }
0x9d: {  	s8 =	simm.s32 $_size__tile_overlayer_lowered;
	s9 =	simm.s32 $_tile_overlayer_lowered  }
0x9e: {  	s22 =	simm.s32 $0x1BFF;
	s21 =	sshll.u32 s9, $0x1;
	s6 =	sadd.s32 s7, s19  }
0x9f: {  	s10 =	simm.s32 $0x0;
	s20 =	sshll.u32 s8, $0x1;
	s8 =	sadd.s32 s21, s6  }
0xa0: {  	[timem:s10], [sflag:s22] =	dma.local [hbm:s8], s20  }
0xa1: {  	_ =	swait.ge [sflag:s22], s20  }
0xa2: {  	s7 =	ssub.s32 $0x0, s20;
	[sflag:s22] =	ssyncset.done $0x0  }
0xa3: {  	[sflag:s22] =	ssyncadd.s32 s7;
	_ =	sdelay $0x1  }
0xa4: {  	s23 =	simm.s32 $0x1B8B  }
0xa5: {  	_ =	swait.ge [sflag:s23], $0x1  }
0xa6: {  	[sflag:s23] =	ssyncset.done $0x0  }
0xa7: {  	s25 =	simm.s32 $0x1B8E;
	s24 =	sld [smem:$0x3FFE];
	[sflag:s23] =	ssyncadd.s32 $0xFFFFFFFF  }
0xa8: {  	s26 =	simm.s32 $execute0_lowered;
	[smem:$0x3FD2] =	sst s25  }
0xa9: {  	s8 =	sshll.u32 s26, $0x1;
	_ =	strace $0x80000046;
	[dreg:$0x1] =	wrdreg $0xFFFFFFFF  }
0xaa: {  	s28 =	simm.s32 $_size_execute0_lowered;
	s6 =	sadd.s32 s6, s8;
	[dreg:$0x0] =	wrdreg $0x0  }
0xab: {  	s8 =	sshll.u32 s28, $0x1;
	[dreg:$0x2] =	wrdreg s6  }
0xac: {  	[dreg:$0x3] =	wrdreg s8  }
0xad: {  	[dreg:$0x4] =	wrdreg $0xC0  }
0xae: {  	_ =	task [dreg:s10], $0x5FFFF  }
0xaf: {  	[dreg:$0x1] =	wrdreg $0xFFFFFFFF  }
0xb0: {  	[dreg:$0x0] =	wrdreg $0x60  }
0xb1: {  	[dreg:$0x2] =	wrdreg s2  }
0xb2: {  	[dreg:$0x3] =	wrdreg s18  }
0xb3: {  	[dreg:$0x4] =	wrdreg s4  }
0xb4: {  	[dreg:$0x5] =	wrdreg s5  }
0xb5: {  	[dreg:$0x6] =	wrdreg s24  }
0xb6: {  	[dreg:$0x7] =	wrdreg $0x9  }
0xb7: {  	_ =	task.clear_ibuf [dreg:s10], $0x8FFFF;
	_ =	strace $0x90000046  }
0xb8: {  	s29 =	simm.s32 $0x9;
	_ =	strace $0x80000048  }
0xb9: {  	_ =	swait.ge [sflag:s29], $0x1  }
0xba: {  	[sflag:s29] =	ssyncadd.s32 $0xFFFFFFFF  }
0xbb: {  	_ =	strace $0x90000048  }
0xbc: {  	_ =	sfence  }
0xbd: {  	s30 =	sld [smem:$0x0];
	_ =	sdelay $0x2  }
0xbe: {  	s31 =	sshll.u32 s1, $0xD;
	s1 =	sshrl.u32 s1, $0x2  }
0xbf: {  	s3 =	sand.u32 $0x4000, s31;
	s1 =	sadd.s32 s1, s30  }
0xc0: {  	s0 =	sor.u32 s3, s0;
	s1 =	sshll.u32 s1, $0x11  }
0xc1: {  	s0 =	sor.u32 s1, s0  }
0xc2: {  	s0 =	sadd.s32 $0x8F2B, s0  }
0xc3: {  	[sflag:s0] =	ssyncadd.remote.s32 $0x1  }
0xc4: {  	_ =	sfence.sel $0xFFFF  }
0xc5: {  	[dreg:$0x0] =	wrdreg $0xFFFFFFFF;
	(pc) =	sbr.abs _section_cstart, $3  }
0xc6: {  	[dreg:$0x1] =	wrdreg $0xFFFFFFFF  }
0xc7: {  	_ =	task.clear_ibuf [dreg:s10], $0x2FFFF;
	_ =	strace $0x9FFFFFFF  }
0xc8: {  	(tm) =	ssettm $0x7FFFFFFF  }
0xc9: {  	_ =	shalt  }
tec
execute0_lowered:
.L_overlay_start_1:
0x0: {  	(tag) =	ssettag $0x1  }
0x1: {  	s0 =	rddreg [dreg:$0x0]  }
0x2: {  	s1 =	rddreg [dreg:$0x1]  }
0x3: {  	s2 =	rddreg [dreg:$0x2];
	s3 =	srdreg.scid  }
0x4: {  	s5 =	rddreg [dreg:$0x4];
	s9 =	stileid.u32;
	s14 =	simm.s32 $0x7  }
0x5: {  	s19 =	simm.s32 $0xB400;
	s20 =	simm.s32 $0x1;
	s21 =	simm.s32 $0x2  }
0x6: {  	s28 =	simm.s32 $0x0;
	s4 =	sand.u32 $0x1, s3;
	s3 =	simm.s32 $0x0  }
0x7: {  	s6 =	sshll.u32 s4, $0x4;
	[smem:$0x7FF] =	sst s3;
	s4 =	ssub.s32 $0x2, s4  }
0x8: {  	s6 =	sor.u32 s9, s6;
	_ =	strace $0x80000047;
	s9 =	sshll.u32 s9, $0x4  }
0x9: {  	s23 =	sshrl.u32 s4, $0x1;
	s7 =	smul.u32 $0x30, s6;
	s8 =	sshll.u32 s6, $0x4  }
0xa: {  	s9 =	sand.u32 $0x70, s9;
	s24 =	smul.u32 $0x20010, s6;
	s12 =	ssub.s32 s4, s23  }
0xb: {  	s23 =	simm.s32 $0x4;
	s8 =	sand.u32 $0x180, s8;
	s10 =	sshrl.u32 s7, $0x3  }
0xc: {  	s12 =	smax.u32 s12, $0x1;
	s7 =	sadd.s32 $0x1218, s7;
	s22 =	smul.u32 $0x180, s10  }
0xd: {  	s8 =	sor.u32 s9, s8;
	s26 =	sshrl.u32 s7, $0x3;
	s13 =	smul.u32 $0xAAB, s7  }
0xe: {  	s30 =	sadd.s32 $0xC00600, s24;
	s24 =	simm.s32 $0x5;
	s29 =	smul.u32 $0x180, s26  }
0xf: {  	s11 =	sadd.s32 s8, s5;
	s25 =	sadd.s32 $0x36000, s22;
	s31 =	sshrl.u32 s13, $0x14  }
0x10: {  	s4 =	sadd.s32 s0, s25;
	s7 =	sadd.s32 s0, s29;
	s0 =	sshrl.u32 s30, $0x14  }
0x11: {  	s10 =	sadd.s32 $0xE00, s11;
	s11 =	sadd.s32 $0x1000, s11;
	s26 =	simm.s32 $0xD880;
	v1 =	vmov s31;
	v0 =	vmov s0  }
0x12: {  	v2 =	vimm.f32 $0.0e+00;
	s22 =	simm.s32 $0x3;
	s5 =	sadd.s32 s1, s25;
	s6 =	sadd.s32 s2, s25;
	v1 =	vand.u32 $0xF, v1;
	v0 =	vand.u32 $0xF, v0  }
0x13: {  	v3 =	vimm.f32 $1.000000000e+00;
	s8 =	sadd.s32 s1, s29;
	s9 =	sadd.s32 s2, s29;
	s25 =	simm.s32 $0x6;
	v1 =	vbroadcast v1, $0x0;
	v0 =	vbroadcast v0, $0x0  }
.LBB2_1:
0x14: {  	s0 =	rddreg [dreg:$0x3];
	s1 =	simm.s32 $0xD800  }
0x15: {  	[tilespmem:s1], [sflag:$0x7] =	stream.linear.gather [hbm4b:s0+s3], $0x80, $0x38;
	[tilespmem:$0xD900] =	vst v63  }
0x16: {  	_ =	swait.ge [sflag:s14], $0x80  }
0x17: {  	[sflag:s14] =	ssyncset.done $0x0  }
0x18: {  	[sflag:s14] =	ssyncadd.s32 $0xFFFFFF80  }
0x19: {  	v4 =	vld [tilespmem:$0xD800];
	[tilespmem:s3], [sflag:$0x1] =	stream.linear.gather [hbm4b:s4+s3], $0x2400, $0x38  }
0x1a: {  	s1 =	simm.s32 $0x4800  }
0x1b: {  	[tilespmem:s1], [sflag:$0x2] =	stream.linear.gather [hbm4b:s5+s3], $0x2400, $0x38;
	[tilespmem:$0xD900] =	vst v63  }
0x1c: {  	s2 =	simm.s32 $0x9000  }
0x1d: {  	[tilespmem:s2], [sflag:$0x3] =	stream.linear.gather [hbm4b:s6+s3], $0x2400, $0x38;
	[tilespmem:$0xD900] =	vst v63  }
0x1e: {  	s13 =	simm.s32 $0x2400  }
0x1f: {  	[tilespmem:s13], [sflag:$0x4] =	stream.linear.gather [hbm4b:s7+s3], $0x2400, $0x38;
	[tilespmem:$0xD900] =	vst v63  }
0x20: {  	s15 =	simm.s32 $0x6C00;
	s16 =	smul.u32 $0xAAAB, s3  }
0x21: {  	[tilespmem:s15], [sflag:$0x5] =	stream.linear.gather [hbm4b:s8+s3], $0x2400, $0x38;
	[tilespmem:$0xD900] =	vst v63  }
0x22: {  	s17 =	sshrl.u32 s16, $0x14  }
0x23: {  	[tilespmem:s19], [sflag:$0x6] =	stream.linear.gather [hbm4b:s9+s3], $0x2400, $0x38;
	[tilespmem:$0xD900] =	vst v63  }
0x24: {  	s0 =	sshrl.u32 s16, $0xD;
	s1 =	smul.u32 $0x18, s17;
	_ =	swait.ge [sflag:s20], $0x2400  }
0x25: {  	s0 =	sand.u32 $0x380, s0;
	[sflag:s20] =	ssyncset.done $0x0  }
0x26: {  	s1 =	ssub.s32 $0x0, s1;
	s2 =	sshrl.u32 s16, $0x17;
	[sflag:s20] =	ssyncadd.s32 $0xFFFFDC00  }
0x27: {  	s2 =	smul.u32 $0xC00, s2;
	s13 =	simm.s32 $0x1;
	_ =	swait.ge [sflag:s21], $0x2400  }
0x28: {  	s13 =	smul.u32 $0xAAAB, s13;
	s15 =	sshll.u32 s1, $0x7;
	[sflag:s21] =	ssyncset.done $0x0  }
0x29: {  	s1 =	sshll.u32 s1, $0x4;
	s15 =	sand.u32 $0xC00, s15;
	[sflag:s21] =	ssyncadd.s32 $0xFFFFDC00  }
0x2a: {  	s1 =	sand.u32 $0x70, s1;
	s2 =	sadd.s32 s15, s2;
	_ =	swait.ge [sflag:s22], $0x2400  }
0x2b: {  	s18 =	sshrl.u32 s13, $0x14;
	s0 =	sor.u32 s0, s2;
	[sflag:s22] =	ssyncset.done $0x0  }
0x2c: {  	s15 =	smul.u32 $0x18, s18;
	s2 =	sor.u32 s1, s0;
	[sflag:s22] =	ssyncadd.s32 $0xFFFFDC00  }
0x2d: {  	v5 =	vld [tilespmem:s2+$0x0]  }
0x2e: {  	s16 =	sshrl.u32 s13, $0x17;
	s0 =	ssub.s32 $0x1, s15  }
0x2f: {  	s13 =	sshrl.u32 s13, $0xD;
	s1 =	smul.u32 $0xC00, s16;
	s16 =	sshll.u32 s0, $0x7  }
0x30: {  	s17 =	simm.s32 $0x2;
	s13 =	sand.u32 $0x380, s13;
	s16 =	sand.u32 $0xC00, s16  }
0x31: {  	s15 =	smul.u32 $0xAAAB, s17;
	s0 =	sshll.u32 s0, $0x4;
	s1 =	sadd.s32 s16, s1  }
0x32: {  	s0 =	sand.u32 $0x70, s0;
	s1 =	sor.u32 s13, s1;
	v6 =	vand.u32 $0x7FFFFFFF, v5  }
0x33: {  	s18 =	sshrl.u32 s15, $0x14;
	s31 =	sor.u32 s0, s1;
	v6 =	vsub.f32 $0.0e+00, v6  }
0x34: {  	s13 =	smul.u32 $0x18, s18;
	v9 =	vld [tilespmem:s31+$0x0]  }
0x35: {  	v6 =	vmul.f32 $1.442695020e+00, v6  }
0x36: {  	s16 =	sshrl.u32 s15, $0x17;
	s0 =	ssub.s32 $0x2, s13  }
0x37: {  	s17 =	simm.s32 $0x3;
	s1 =	smul.u32 $0xC00, s16;
	s18 =	sshll.u32 s0, $0x7;
	(erf) = vpow2.f32 v6  }
0x38: {  	s15 =	sshrl.u32 s15, $0xD;
	s13 =	smul.u32 $0xAAAB, s17;
	s16 =	sand.u32 $0xC00, s18  }
0x39: {  	s15 =	sand.u32 $0x380, s15;
	s0 =	sshll.u32 s0, $0x4;
	s1 =	sadd.s32 s16, s1;
	v6 =	vand.u32 $0x7FFFFFFF, v9  }
0x3a: {  	s0 =	sand.u32 $0x70, s0;
	s17 =	sshrl.u32 s13, $0x14;
	s1 =	sor.u32 s15, s1;
	v6 =	vsub.f32 $0.0e+00, v6  }
0x3b: {  	s18 =	smul.u32 $0x18, s17;
	s29 =	sor.u32 s0, s1  }
0x3c: {  	s15 =	simm.s32 $0x4;
	v8 =	vld [tilespmem:s29+$0x0];
	v6 =	vmul.f32 $1.442695020e+00, v6  }
0x3d: {  	s16 =	sshrl.u32 s13, $0x17;
	s1 =	smul.u32 $0xAAAB, s15;
	s0 =	ssub.s32 $0x3, s18  }
0x3e: {  	s15 =	smul.u32 $0xC00, s16;
	s17 =	sshll.u32 s0, $0x7;
	(erf) = vpow2.f32 v6  }
0x3f: {  	s13 =	sshrl.u32 s13, $0xD;
	s16 =	sand.u32 $0xC00, s17  }
0x40: {  	s13 =	sand.u32 $0x380, s13;
	s0 =	sshll.u32 s0, $0x4;
	s15 =	sadd.s32 s16, s15;
	v10 =	vpop (erf)  }
0x41: {  	s0 =	sand.u32 $0x70, s0;
	s13 =	sor.u32 s13, s15;
	v6 =	vand.u32 $0x7FFFFFFF, v8;
	v7 =	vmul.f32 $4.106406870e-02, v10  }
0x42: {  	s18 =	sshrl.u32 s1, $0x14;
	s0 =	sor.u32 s0, s13;
	v6 =	vsub.f32 $0.0e+00, v6  }
0x43: {  	s17 =	smul.u32 $0x18, s18;
	v11 =	vadd.f32 $-1.560269450e-01, v7;
	v7 =	vld [tilespmem:s0+$0x0]  }
0x44: {  	v6 =	vmul.f32 $1.442695020e+00, v6  }
0x45: {  	s16 =	sshrl.u32 s1, $0x17;
	s18 =	ssub.s32 $0x4, s17;
	v11 =	vmul.f32 v11, v10  }
0x46: {  	s1 =	sshrl.u32 s1, $0xD;
	s15 =	smul.u32 $0xC00, s16;
	s30 =	sshll.u32 s18, $0x7;
	(erf) = vpow2.f32 v6  }
0x47: {  	s1 =	sand.u32 $0x380, s1;
	s17 =	simm.s32 $0x5;
	s30 =	sand.u32 $0xC00, s30;
	v12 =	vpop (erf);
	v6 =	vadd.f32 $3.046708700e-01, v11  }
0x48: {  	s16 =	smul.u32 $0xAAAB, s17;
	s13 =	sshll.u32 s18, $0x4;
	s15 =	sadd.s32 s30, s15;
	v11 =	vmul.f32 $4.106406870e-02, v12;
	v13 =	vand.u32 $0x7FFFFFFF, v7  }
0x49: {  	s13 =	sand.u32 $0x70, s13;
	s1 =	sor.u32 s1, s15;
	v14 =	vmul.f32 v6, v10;
	v13 =	vsub.f32 $0.0e+00, v13  }
0x4a: {  	s18 =	sshrl.u32 s16, $0x14;
	s1 =	sor.u32 s13, s1;
	v11 =	vadd.f32 $-1.560269450e-01, v11  }
0x4b: {  	s17 =	smul.u32 $0x18, s18;
	v6 =	vld [tilespmem:s1+$0x0];
	v14 =	vadd.f32 $-4.963677530e-01, v14;
	v13 =	vmul.f32 $1.442695020e+00, v13  }
0x4c: {  	v17 =	vperm.xlane v4, v0;
	v11 =	vmul.f32 v11, v12  }
0x4d: {  	v15 =	vld [tilespmem:s2+$0x4800];
	s18 =	sshrl.u32 s16, $0x17;
	s13 =	ssub.s32 $0x5, s17;
	v16 =	vmul.f32 v14, v10;
	(erf) = vpow2.f32 v13  }
0x4e: {  	v24 =	vimm.f32 $0.0e+00;
	s30 =	simm.s32 $0x6;
	s15 =	smul.u32 $0xC00, s18;
	s17 =	sshll.u32 s13, $0x7;
	v13 =	vld [tilespmem:s2+$0x9000];
	v11 =	vadd.f32 $3.046708700e-01, v11  }
0x4f: {  	vm0 =	veq.s32 v17, $0x1;
	v19 =	vxor.u32 $0x80000000, v5;
	s16 =	sshrl.u32 s16, $0xD;
	s18 =	smul.u32 $0xAAAB, s30;
	s17 =	sand.u32 $0xC00, s17;
	v14 =	vpop (erf);
	v16 =	vadd.f32 $9.998878830e-01, v16  }
0x50: {  	s16 =	sand.u32 $0x380, s16;
	s13 =	sshll.u32 s13, $0x4;
	s2 =	sadd.s32 s17, s15;
	v18 =	vand.u32 $0x7FFFFFFF, v6;
	v11 =	vmul.f32 v11, v12;
	v17 =	vmul.f32 $4.106406870e-02, v14  }
0x51: {  	v5 =	vsel vm0, v19, v5;
	s13 =	sand.u32 $0x70, s13;
	s17 =	sshrl.u32 s18, $0x14;
	s2 =	sor.u32 s16, s2;
	v10 =	vmul.f32 v16, v10;
	v16 =	vsub.f32 $0.0e+00, v18  }
0x52: {  	s15 =	smul.u32 $0x18, s17;
	s30 =	sor.u32 s13, s2;
	v18 =	vmax.f32 v5, $0.0e+00;
	v11 =	vadd.f32 $-4.963677530e-01, v11;
	v17 =	vadd.f32 $-1.560269450e-01, v17  }
0x53: {  	v5 =	vld [tilespmem:s30+$0x0];
	v13 =	vmin.f32 v15, v13;
	v10 =	vadd.f32 v10, v18;
	v15 =	vmul.f32 $1.442695020e+00, v16  }
0x54: {  	s16 =	sshrl.u32 s18, $0x17;
	s13 =	ssub.s32 $0x6, s15;
	vm1 =	vgt.f32 v13, $5.000000000e-01;
	v11 =	vmul.f32 v11, v12;
	v13 =	vmul.f32 v17, v14  }
0x55: {  	v25 =	vld [tilespmem:s31+$0x4800];
	s18 =	sshrl.u32 s18, $0xD;
	s2 =	smul.u32 $0xC00, s16;
	s17 =	sshll.u32 s13, $0x7;
	v22 =	vsel vm1, $0x3F800000, v2;
	v17 =	vxor.u32 $0x80000000, v9;
	v10 =	vnsel vm1, $0x0, v10  }
0x56: {  	v26 =	vld [tilespmem:s31+$0x9000];
	s16 =	simm.s32 $0x7;
	s13 =	sshll.u32 s13, $0x4;
	s15 =	sand.u32 $0xC00, s17;
	(erf) = vpow2.f32 v15;
	v11 =	vadd.f32 $9.998878830e-01, v11;
	v9 =	vsel vm0, v17, v9;
	v19 =	vpop (erf)  }
0x57: {  	s17 =	sand.u32 $0x380, s18;
	s15 =	sadd.s32 s15, s2;
	s2 =	smul.u32 $0xAAAB, s16;
	v16 =	vadd.f32 v10, v2;
	v10 =	vadd.f32 $3.046708700e-01, v13;
	v15 =	vmul.f32 $4.106406870e-02, v19  }
0x58: {  	s13 =	sand.u32 $0x70, s13;
	s15 =	sor.u32 s17, s15;
	v13 =	vand.u32 $0x7FFFFFFF, v5;
	v28 =	vmax.f32 v9, $0.0e+00;
	v27 =	vmul.f32 v11, v12  }
0x59: {  	s31 =	sshrl.u32 s2, $0x14;
	s15 =	sor.u32 s13, s15;
	s13 =	simm.s32 $0x8;
	v12 =	vsub.f32 $0.0e+00, v13;
	v10 =	vmul.f32 v10, v14;
	v11 =	vadd.f32 $-1.560269450e-01, v15  }
.LBB2_2:
0x5a: {  	p0 =	sne.s32 s13, $0x23F  }
0x5b: {  	s17 =	smul.u32 $0x18, s31;
	v9 =	vadd.f32 $-4.963677530e-01, v10;
	s18 =	smov.u32 s29;
	s29 =	smov.u32 s0  }
0x5c: {  	v10 =	vadd.f32 v27, v28;
	v13 =	vmin.f32 v25, v26;
	v15 =	vmovc v5;
	v5 =	vld [tilespmem:s15+$0x0];
	v17 =	vmovc v14;
	v14 =	vmov v19;
	s0 =	smov.u32 s1;
	s1 =	smov.u32 s30;
	s30 =	smov.u32 s15  }
0x5d: {  	v24 =	vadd.f32 v22, v24;
	s15 =	smul.u32 $0xAAAB, s13;
	v12 =	vmul.f32 $1.442695020e+00, v12;
	vm1 =	vgt.f32 v13, $5.000000000e-01;
	s16 =	ssub.s32 s16, s17;
	s17 =	sshrl.u32 s2, $0x17  }
0x5e: {  	v11 =	vmul.f32 v11, v14;
	v25 =	vld [tilespmem:s18+$0x4800];
	v9 =	vmul.f32 v9, v17;
	v10 =	vnsel vm1, $0x0, v10;
	s17 =	smul.u32 $0xC00, s17  }
.Ltmp0:
0x5f: {  	v22 =	vsel vm1, $0x3F800000, v2;
	s31 =	sshll.u32 s16, $0x7;
	(erf) = vpow2.f32 v12;
	v26 =	vld [tilespmem:s18+$0x9000];
	v16 =	vadd.f32 v10, v16;
	(pc) =	sbr.rel @p0 .LBB2_2-.Ltmp0, $4  }
0x60: {  	v10 =	vadd.f32 $3.046708700e-01, v11;
	s18 =	sand.u32 $0xC00, s31;
	s31 =	sshrl.u32 s2, $0xD;
	v19 =	vpop (erf);
	v9 =	vadd.f32 $9.998878830e-01, v9;
	s2 =	smov.u32 s15  }
0x61: {  	v12 =	vxor.u32 $0x80000000, v8;
	s15 =	sshll.u32 s16, $0x4;
	s16 =	sadd.s32 s18, s17;
	s17 =	sand.u32 $0x380, s31;
	v11 =	vand.u32 $0x7FFFFFFF, v5;
	v13 =	vmul.f32 $4.106406870e-02, v19  }
0x62: {  	v18 =	vsel vm0, v12, v8;
	v8 =	vmovc v7;
	s15 =	sand.u32 $0x70, s15;
	v10 =	vmul.f32 v10, v14;
	s17 =	sor.u32 s17, s16;
	v27 =	vmul.f32 v9, v17;
	s16 =	smov.u32 s13  }
0x63: {  	v7 =	vmovc v6;
	v6 =	vmovc v15;
	s31 =	sshrl.u32 s2, $0x14;
	v28 =	vmax.f32 v18, $0.0e+00;
	s13 =	sadd.s32 $0x1, s13;
	v12 =	vsub.f32 $0.0e+00, v11;
	s15 =	sor.u32 s15, s17;
	v11 =	vadd.f32 $-1.560269450e-01, v13  }
0x64: {  	s13 =	smul.u32 $0x18, s31;
	_ =	sdelay $0x1  }
0x65: {  	s17 =	sshrl.u32 s2, $0x17;
	s13 =	ssub.s32 s16, s13  }
0x66: {  	s16 =	smul.u32 $0xC00, s17;
	s17 =	sshll.u32 s13, $0x7  }
0x67: {  	s18 =	sshrl.u32 s2, $0xD;
	s17 =	sand.u32 $0xC00, s17  }
0x68: {  	s2 =	sand.u32 $0x380, s18;
	s13 =	sshll.u32 s13, $0x4;
	s16 =	sadd.s32 s17, s16  }
0x69: {  	s13 =	sand.u32 $0x70, s13;
	s2 =	sor.u32 s2, s16  }
0x6a: {  	v13 =	vld [tilespmem:s15+$0x0];
	s2 =	sor.u32 s13, s2  }
0x6b: {  	v9 =	vld [tilespmem:s2+$0x0];
	_ =	sdelay $0x3  }
0x6c: {  	v15 =	vand.u32 $0x7FFFFFFF, v13  }
0x6d: {  	v15 =	vsub.f32 $0.0e+00, v15;
	v17 =	vand.u32 $0x7FFFFFFF, v9  }
0x6e: {  	v12 =	vmul.f32 $1.442695020e+00, v12;
	v17 =	vsub.f32 $0.0e+00, v17  }
0x6f: {  	v15 =	vmul.f32 $1.442695020e+00, v15  }
0x70: {  	(erf) = vpow2.f32 v12;
	v12 =	vmul.f32 $1.442695020e+00, v17  }
0x71: {  	v29 =	vld [tilespmem:s29+$0x4800];
	(erf) = vpow2.f32 v15  }
0x72: {  	v30 =	vld [tilespmem:s29+$0x9000];
	(erf) = vpow2.f32 v12  }
0x73: {  	v31 =	vld [tilespmem:s0+$0x4800]  }
0x74: {  	v32 =	vld [tilespmem:s0+$0x9000]  }
0x75: {  	v33 =	vld [tilespmem:s1+$0x4800];
	v11 =	vmul.f32 v11, v19;
	v35 =	vpop (erf);
	v12 =	vadd.f32 $-4.963677530e-01, v10  }
0x76: {  	v34 =	vld [tilespmem:s1+$0x9000];
	v36 =	vmul.f32 $4.106406870e-02, v35  }
0x77: {  	v20 =	vld [tilespmem:s30+$0x4800];
	v38 =	vadd.f32 $3.046708700e-01, v11;
	v37 =	vmul.f32 v12, v14  }
0x78: {  	v27 =	vadd.f32 v27, v28;
	v25 =	vmin.f32 v25, v26;
	v49 =	vadd.f32 $-1.560269450e-01, v36;
	v11 =	vld [tilespmem:s2+$0x9000]  }
0x79: {  	v22 =	vadd.f32 v22, v24;
	v51 =	vmul.f32 v38, v19;
	v23 =	vpop (erf);
	v10 =	vld [tilespmem:s2+$0x4800];
	s2 =	simm.s32 $0x0;
	v50 =	vadd.f32 $9.998878830e-01, v37  }
0x7a: {  	v21 =	vld [tilespmem:s30+$0x9000];
	v52 =	vxor.u32 $0x80000000, v8;
	v58 =	vxor.u32 $0x80000000, v7;
	v26 =	vmul.f32 v49, v35;
	v18 =	vpop (erf);
	s0 =	smul.u32 $0xAAAB, s2  }
0x7b: {  	v8 =	vsel vm0, v52, v8;
	v53 =	vadd.f32 $-4.963677530e-01, v51;
	v15 =	vld [tilespmem:s15+$0x4800];
	v14 =	vmul.f32 v50, v14;
	v12 =	vpop (erf)  }
0x7c: {  	v61 =	vxor.u32 $0x80000000, v6;
	v8 =	vmax.f32 v8, $0.0e+00;
	s16 =	simm.s32 $0x1;
	v26 =	vadd.f32 $3.046708700e-01, v26;
	v17 =	vld [tilespmem:s15+$0x9000];
	s13 =	sshrl.u32 s0, $0x14;
	_ =	swait.ge [sflag:s23], $0x2400  }
0x7d: {  	vm1 =	vgt.f32 v25, $5.000000000e-01;
	s15 =	sshrl.u32 s0, $0x17;
	s1 =	smul.u32 $0x18, s13;
	v8 =	vadd.f32 v14, v8;
	v14 =	vmul.f32 v53, v19;
	[sflag:s23] =	ssyncset.done $0x0  }
0x7e: {  	v7 =	vsel vm0, v58, v7;
	v6 =	vsel vm0, v61, v6;
	v26 =	vmul.f32 v26, v35;
	s0 =	sshrl.u32 s0, $0xD;
	s2 =	smul.u32 $0xC00, s15;
	[sflag:s23] =	ssyncadd.s32 $0xFFFFDC00  }
0x7f: {  	v54 =	vnsel vm1, $0x0, v27;
	v57 =	vmul.f32 $4.106406870e-02, v23;
	s13 =	smul.u32 $0xAAAB, s16;
	s1 =	ssub.s32 $0x0, s1;
	v14 =	vadd.f32 $9.998878830e-01, v14;
	_ =	swait.ge [sflag:s24], $0x2400  }
0x80: {  	v56 =	vsel vm1, $0x3F800000, v2;
	v7 =	vmax.f32 v7, $0.0e+00;
	v26 =	vadd.f32 $-4.963677530e-01, v26;
	s0 =	sand.u32 $0x380, s0;
	s17 =	sshll.u32 s1, $0x7;
	[sflag:s24] =	ssyncset.done $0x0  }
0x81: {  	v16 =	vadd.f32 v54, v16;
	s18 =	sshrl.u32 s13, $0x14;
	s15 =	sand.u32 $0xC00, s17;
	v14 =	vmul.f32 v14, v19;
	v19 =	vadd.f32 $-1.560269450e-01, v57;
	[sflag:s24] =	ssyncadd.s32 $0xFFFFDC00  }
0x82: {  	v22 =	vadd.f32 v56, v22;
	v55 =	vmin.f32 v29, v30;
	v59 =	vmul.f32 v26, v35;
	s1 =	sshll.u32 s1, $0x4;
	s2 =	sadd.s32 s15, s2;
	_ =	swait.ge [sflag:s25], $0x2400  }
0x83: {  	vm1 =	vgt.f32 v55, $5.000000000e-01;
	s1 =	sand.u32 $0x70, s1;
	s0 =	sor.u32 s0, s2;
	v7 =	vadd.f32 v14, v7;
	v14 =	vmul.f32 v19, v23;
	[sflag:s25] =	ssyncset.done $0x0  }
0x84: {  	v60 =	vmin.f32 v31, v32;
	v24 =	vadd.f32 $9.998878830e-01, v59;
	v8 =	vnsel vm1, $0x0, v8;
	s2 =	smul.u32 $0x18, s18;
	s0 =	sor.u32 s1, s0;
	[sflag:s25] =	ssyncadd.s32 $0xFFFFDC00  }
0x85: {  	v8 =	vadd.f32 v8, v16;
	v19 =	vsel vm1, $0x3F800000, v2;
	v14 =	vadd.f32 $3.046708700e-01, v14;
	v16 =	vld [tilespmem:s0+$0x2400]  }
0x86: {  	v6 =	vmax.f32 v6, $0.0e+00;
	s15 =	sshrl.u32 s13, $0x17;
	s1 =	ssub.s32 $0x1, s2;
	vm1 =	vgt.f32 v60, $5.000000000e-01;
	v19 =	vadd.f32 v19, v22  }
0x87: {  	s16 =	simm.s32 $0x2;
	s2 =	smul.u32 $0xC00, s15;
	s17 =	sshll.u32 s1, $0x7;
	v22 =	vmul.f32 v24, v35;
	v7 =	vnsel vm1, $0x0, v7;
	v14 =	vmul.f32 v14, v23  }
0x88: {  	s13 =	sshrl.u32 s13, $0xD;
	s15 =	smul.u32 $0xAAAB, s16;
	s16 =	sand.u32 $0xC00, s17;
	v63 =	vsel vm1, $0x3F800000, v2;
	v7 =	vadd.f32 v7, v8;
	v8 =	vmul.f32 $4.106406870e-02, v18  }
0x89: {  	s13 =	sand.u32 $0x380, s13;
	s1 =	sshll.u32 s1, $0x4;
	s2 =	sadd.s32 s16, s2;
	v6 =	vadd.f32 v22, v6;
	v22 =	vmin.f32 v33, v34;
	v14 =	vadd.f32 $-4.963677530e-01, v14  }
0x8a: {  	s1 =	sand.u32 $0x70, s1;
	s2 =	sor.u32 s13, s2;
	vm1 =	vgt.f32 v22, $5.000000000e-01;
	v8 =	vadd.f32 $-1.560269450e-01, v8;
	v62 =	vand.u32 $0x7FFFFFFF, v16  }
0x8b: {  	s18 =	sshrl.u32 s15, $0x14;
	s1 =	sor.u32 s1, s2;
	v6 =	vnsel vm1, $0x0, v6;
	v22 =	vmul.f32 v14, v23;
	v24 =	vsub.f32 $0.0e+00, v62  }
0x8c: {  	s13 =	smul.u32 $0x18, s18;
	v6 =	vadd.f32 v6, v7;
	v8 =	vmul.f32 v8, v18;
	v14 =	vld [tilespmem:s1+$0x2400]  }
0x8d: {  	v7 =	vadd.f32 $9.998878830e-01, v22;
	v22 =	vxor.u32 $0x80000000, v5;
	v24 =	vmul.f32 $1.442695020e+00, v24  }
0x8e: {  	s16 =	sshrl.u32 s15, $0x17;
	s2 =	ssub.s32 $0x2, s13;
	v8 =	vadd.f32 $3.046708700e-01, v8;
	v5 =	vsel vm0, v22, v5;
	v22 =	vmul.f32 $4.106406870e-02, v12  }
0x8f: {  	s17 =	simm.s32 $0x3;
	s13 =	smul.u32 $0xC00, s16;
	s18 =	sshll.u32 s2, $0x7;
	v7 =	vmul.f32 v7, v23;
	(erf) = vpow2.f32 v24  }
0x90: {  	s15 =	sshrl.u32 s15, $0xD;
	v19 =	vadd.f32 v63, v19;
	s16 =	smul.u32 $0xAAAB, s17;
	s17 =	sand.u32 $0xC00, s18;
	v8 =	vmul.f32 v8, v18;
	v5 =	vmax.f32 v5, $0.0e+00  }
0x91: {  	s15 =	sand.u32 $0x380, s15;
	s2 =	sshll.u32 s2, $0x4;
	s13 =	sadd.s32 s17, s13;
	v22 =	vadd.f32 $-1.560269450e-01, v22;
	v7 =	vadd.f32 v7, v5;
	v5 =	vand.u32 $0x7FFFFFFF, v14  }
0x92: {  	v20 =	vmin.f32 v20, v21;
	s2 =	sand.u32 $0x70, s2;
	s13 =	sor.u32 s15, s13;
	v8 =	vadd.f32 $-4.963677530e-01, v8;
	v21 =	vsub.f32 $0.0e+00, v5  }
0x93: {  	s18 =	sshrl.u32 s16, $0x14;
	s29 =	sor.u32 s2, s13;
	v23 =	vsel vm1, $0x3F800000, v2;
	vm1 =	vgt.f32 v20, $5.000000000e-01;
	v20 =	vmul.f32 v22, v12  }
0x94: {  	s13 =	smul.u32 $0x18, s18;
	v5 =	vld [tilespmem:s29+$0x2400];
	v8 =	vmul.f32 v8, v18;
	v7 =	vnsel vm1, $0x0, v7;
	v21 =	vmul.f32 $1.442695020e+00, v21  }
0x95: {  	v6 =	vadd.f32 v7, v6;
	v7 =	vadd.f32 $3.046708700e-01, v20;
	v20 =	vxor.u32 $0x80000000, v13  }
0x96: {  	s15 =	sshrl.u32 s16, $0x17;
	s2 =	ssub.s32 $0x3, s13  }
0x97: {  	s17 =	simm.s32 $0x4;
	s13 =	smul.u32 $0xC00, s15;
	s18 =	sshll.u32 s2, $0x7;
	v19 =	vadd.f32 v23, v19;
	v8 =	vadd.f32 $9.998878830e-01, v8;
	(erf) = vpow2.f32 v21  }
0x98: {  	s16 =	sshrl.u32 s16, $0xD;
	s15 =	smul.u32 $0xAAAB, s17;
	s17 =	sand.u32 $0xC00, s18;
	v13 =	vsel vm0, v20, v13;
	v21 =	vsel vm1, $0x3F800000, v2;
	v7 =	vmul.f32 v7, v12;
	v20 =	vpop (erf)  }
0x99: {  	s16 =	sand.u32 $0x380, s16;
	s2 =	sshll.u32 s2, $0x4;
	s13 =	sadd.s32 s17, s13;
	v8 =	vmul.f32 v8, v18;
	v18 =	vand.u32 $0x7FFFFFFF, v5;
	v22 =	vmul.f32 $4.106406870e-02, v20  }
0x9a: {  	s2 =	sand.u32 $0x70, s2;
	s13 =	sor.u32 s16, s13;
	v13 =	vmax.f32 v13, $0.0e+00;
	v7 =	vadd.f32 $-4.963677530e-01, v7;
	v18 =	vsub.f32 $0.0e+00, v18  }
0x9b: {  	s30 =	sor.u32 s2, s13;
	v8 =	vadd.f32 v8, v13;
	v13 =	vmin.f32 v15, v17;
	v15 =	vadd.f32 $-1.560269450e-01, v22  }
0x9c: {  	vm1 =	vgt.f32 v13, $5.000000000e-01;
	v13 =	vmul.f32 v7, v12;
	v7 =	vld [tilespmem:s30+$0x2400];
	v17 =	vmul.f32 $1.442695020e+00, v18  }
0x9d: {  	v18 =	vadd.f32 v21, v19;
	v8 =	vnsel vm1, $0x0, v8;
	v15 =	vmul.f32 v15, v20  }
0x9e: {  	s18 =	sshrl.u32 s15, $0x14;
	v19 =	vxor.u32 $0x80000000, v9;
	v6 =	vadd.f32 v8, v6;
	v13 =	vadd.f32 $9.998878830e-01, v13  }
0x9f: {  	s13 =	smul.u32 $0x18, s18;
	v8 =	vsel vm0, v19, v9;
	(erf) = vpow2.f32 v17;
	v9 =	vadd.f32 $3.046708700e-01, v15  }
0xa0: {  	s16 =	sshrl.u32 s15, $0x17;
	v8 =	vmax.f32 v8, $0.0e+00;
	v12 =	vmul.f32 v13, v12;
	v17 =	vpop (erf)  }
0xa1: {  	s17 =	simm.s32 $0x5;
	s2 =	ssub.s32 $0x4, s13;
	s13 =	smul.u32 $0xC00, s16;
	v13 =	vand.u32 $0x7FFFFFFF, v7;
	v19 =	vmul.f32 $4.106406870e-02, v17;
	v9 =	vmul.f32 v9, v20  }
0xa2: {  	s15 =	sshrl.u32 s15, $0xD;
	s16 =	smul.u32 $0xAAAB, s17;
	s18 =	sshll.u32 s2, $0x7;
	v12 =	vadd.f32 v12, v8;
	v8 =	vmin.f32 v10, v11;
	v10 =	vsub.f32 $0.0e+00, v13  }
0xa3: {  	s15 =	sand.u32 $0x380, s15;
	s17 =	sand.u32 $0xC00, s18;
	v15 =	vsel vm1, $0x3F800000, v2;
	vm1 =	vgt.f32 v8, $5.000000000e-01;
	v9 =	vadd.f32 $-4.963677530e-01, v9  }
0xa4: {  	s2 =	sshll.u32 s2, $0x4;
	s13 =	sadd.s32 s17, s13;
	s17 =	sshrl.u32 s16, $0x14;
	v11 =	vadd.f32 $-1.560269450e-01, v19;
	v10 =	vmul.f32 $1.442695020e+00, v10;
	v13 =	vadd.f32 v15, v18  }
0xa5: {  	s2 =	sand.u32 $0x70, s2;
	s13 =	sor.u32 s15, s13;
	s18 =	smul.u32 $0x18, s17;
	v15 =	vperm.xlane v4, v1;
	v4 =	vnsel vm1, $0x0, v12;
	v12 =	vld [tilespmem:s0+$0x6C00];
	v9 =	vmul.f32 v9, v20  }
0xa6: {  	s31 =	sor.u32 s2, s13;
	v21 =	vxor.u32 $0x80000000, v16;
	v18 =	vld [tilespmem:s0+$0xB400];
	v11 =	vmul.f32 v11, v17  }
0xa7: {  	s17 =	sshrl.u32 s16, $0x17;
	s2 =	ssub.s32 $0x5, s18;
	v8 =	vld [tilespmem:s31+$0x2400];
	v4 =	vadd.f32 v4, v6;
	(erf) = vpow2.f32 v10;
	v9 =	vadd.f32 $9.998878830e-01, v9  }
0xa8: {  	s15 =	simm.s32 $0x6;
	s13 =	smul.u32 $0xC00, s17;
	s18 =	sshll.u32 s2, $0x7;
	v6 =	vsel vm1, $0x3F800000, v2;
	vm1 =	veq.s32 v15, $0x1;
	v10 =	vpop (erf);
	v11 =	vadd.f32 $3.046708700e-01, v11  }
0xa9: {  	s16 =	sshrl.u32 s16, $0xD;
	s15 =	smul.u32 $0xAAAB, s15;
	s18 =	sand.u32 $0xC00, s18;
	v16 =	vsel vm1, v21, v16;
	v19 =	vmul.f32 $4.106406870e-02, v10;
	v20 =	vmul.f32 v9, v20  }
0xaa: {  	s2 =	sshll.u32 s2, $0x4;
	s13 =	sadd.s32 s18, s13;
	s0 =	sand.u32 $0x380, s16;
	v16 =	vmax.f32 v16, $0.0e+00;
	v11 =	vmul.f32 v11, v17  }
0xab: {  	s2 =	sand.u32 $0x70, s2;
	s16 =	sshrl.u32 s15, $0x14;
	s0 =	sor.u32 s0, s13;
	v12 =	vmin.f32 v12, v18;
	v19 =	vadd.f32 $-1.560269450e-01, v19;
	v16 =	vadd.f32 v20, v16  }
0xac: {  	s17 =	smul.u32 $0x18, s16;
	s0 =	sor.u32 s2, s0;
	v15 =	vand.u32 $0x7FFFFFFF, v8;
	vm2 =	vgt.f32 v12, $5.000000000e-01;
	v21 =	vadd.f32 $-4.963677530e-01, v11  }
0xad: {  	v15 =	vsub.f32 $0.0e+00, v15;
	v18 =	vmul.f32 v19, v10;
	v9 =	vld [tilespmem:s0+$0x2400];
	v12 =	vnsel vm2, $0x0, v16  }
0xae: {  	s18 =	sshrl.u32 s15, $0x17;
	v22 =	vxor.u32 $0x80000000, v14;
	v6 =	vadd.f32 v6, v13;
	s16 =	ssub.s32 $0x6, s17;
	v19 =	vmul.f32 v21, v17  }
0xaf: {  	s15 =	sshrl.u32 s15, $0xD;
	s17 =	smul.u32 $0xC00, s18;
	s18 =	sshll.u32 s16, $0x7;
	v11 =	vimm.f32 $0.0e+00;
	v15 =	vmul.f32 $1.442695020e+00, v15;
	v18 =	vadd.f32 $3.046708700e-01, v18  }
0xb0: {  	s13 =	simm.s32 $0x7;
	s15 =	sand.u32 $0x380, s15;
	v22 =	vsel vm1, v22, v14;
	v14 =	vld [tilespmem:s1+$0xB400];
	s18 =	sand.u32 $0xC00, s18;
	v19 =	vadd.f32 $9.998878830e-01, v19;
	v13 =	vadd.f32 v12, v11;
	v12 =	vpop (erf)  }
0xb1: {  	s2 =	smul.u32 $0xAAAB, s13;
	s16 =	sshll.u32 s16, $0x4;
	s17 =	sadd.s32 s18, s17;
	(erf) = vpow2.f32 v15;
	v15 =	vsel vm2, $0x3F800000, v2;
	v16 =	vld [tilespmem:s1+$0x6C00];
	v21 =	vmul.f32 $4.106406870e-02, v12  }
0xb2: {  	s18 =	sand.u32 $0x70, s16;
	s17 =	sor.u32 s15, s17;
	v18 =	vmul.f32 v18, v10;
	v19 =	vmul.f32 v19, v17;
	v20 =	vand.u32 $0x7FFFFFFF, v9  }
0xb3: {  	s16 =	sshrl.u32 s2, $0x14;
	s15 =	simm.s32 $0x8;
	s1 =	sor.u32 s18, s17;
	v20 =	vsub.f32 $0.0e+00, v20;
	v17 =	vadd.f32 $-1.560269450e-01, v21;
	v21 =	vmax.f32 v22, $0.0e+00  }
.LBB2_4:
0xb4: {  	p0 =	sne.s32 s15, $0x23F  }
0xb5: {  	s16 =	smul.u32 $0x18, s16;
	v18 =	vadd.f32 $-4.963677530e-01, v18;
	s17 =	smov.u32 s29;
	s29 =	smov.u32 s30  }
0xb6: {  	v19 =	vadd.f32 v19, v21;
	v14 =	vmin.f32 v16, v14;
	v22 =	vmovc v9;
	v9 =	vld [tilespmem:s1+$0x2400];
	v21 =	vmovc v10;
	v10 =	vmov v12;
	s30 =	smov.u32 s31;
	s31 =	smov.u32 s0;
	s0 =	smov.u32 s1  }
0xb7: {  	v11 =	vadd.f32 v15, v11;
	s1 =	smul.u32 $0xAAAB, s15;
	v20 =	vmul.f32 $1.442695020e+00, v20;
	vm2 =	vgt.f32 v14, $5.000000000e-01;
	s13 =	ssub.s32 s13, s16;
	s16 =	sshrl.u32 s2, $0x17  }
0xb8: {  	v17 =	vmul.f32 v17, v10;
	v16 =	vld [tilespmem:s17+$0x6C00];
	v18 =	vmul.f32 v18, v21;
	v15 =	vnsel vm2, $0x0, v19;
	s16 =	smul.u32 $0xC00, s16  }
.Ltmp1:
0xb9: {  	s18 =	sshll.u32 s13, $0x7;
	(erf) = vpow2.f32 v20;
	v14 =	vld [tilespmem:s17+$0xB400];
	v13 =	vadd.f32 v15, v13;
	v15 =	vsel vm2, $0x3F800000, v2;
	(pc) =	sbr.rel @p0 .LBB2_4-.Ltmp1, $4  }
0xba: {  	v17 =	vadd.f32 $3.046708700e-01, v17;
	s17 =	sand.u32 $0xC00, s18;
	s18 =	sshrl.u32 s2, $0xD;
	v12 =	vpop (erf);
	v19 =	vadd.f32 $9.998878830e-01, v18;
	s2 =	smov.u32 s1  }
0xbb: {  	v24 =	vxor.u32 $0x80000000, v5;
	s1 =	sshll.u32 s13, $0x4;
	s13 =	sadd.s32 s17, s16;
	s16 =	sand.u32 $0x380, s18;
	v20 =	vand.u32 $0x7FFFFFFF, v9;
	v23 =	vmul.f32 $4.106406870e-02, v12  }
0xbc: {  	v24 =	vsel vm1, v24, v5;
	v5 =	vmovc v7;
	s1 =	sand.u32 $0x70, s1;
	v18 =	vmul.f32 v17, v10;
	s17 =	sor.u32 s16, s13;
	v19 =	vmul.f32 v19, v21;
	s13 =	smov.u32 s15  }
0xbd: {  	v7 =	vmovc v8;
	v8 =	vmovc v22;
	s16 =	sshrl.u32 s2, $0x14;
	s15 =	sadd.s32 $0x1, s15;
	v20 =	vsub.f32 $0.0e+00, v20;
	v21 =	vmax.f32 v24, $0.0e+00;
	s1 =	sor.u32 s1, s17;
	v17 =	vadd.f32 $-1.560269450e-01, v23  }
0xbe: {  	s15 =	smul.u32 $0x18, s16;
	_ =	sdelay $0x1  }
0xbf: {  	s16 =	sshrl.u32 s2, $0x17;
	s13 =	ssub.s32 s13, s15  }
0xc0: {  	s15 =	smul.u32 $0xC00, s16;
	s17 =	sshll.u32 s13, $0x7  }
0xc1: {  	s18 =	sshrl.u32 s2, $0xD;
	s16 =	sand.u32 $0xC00, s17  }
0xc2: {  	s2 =	sand.u32 $0x380, s18;
	s13 =	sshll.u32 s13, $0x4;
	s15 =	sadd.s32 s16, s15  }
0xc3: {  	v22 =	vld [tilespmem:s1+$0x2400];
	s13 =	sand.u32 $0x70, s13;
	s2 =	sor.u32 s2, s15  }
0xc4: {  	s2 =	sor.u32 s13, s2  }
0xc5: {  	v23 =	vld [tilespmem:s2+$0x2400];
	_ =	sdelay $0x1  }
0xc6: {  	v18 =	vadd.f32 $-4.963677530e-01, v18;
	v19 =	vadd.f32 v19, v21;
	v14 =	vmin.f32 v16, v14  }
0xc7: {  	v11 =	vadd.f32 v15, v11;
	v45 =	vmul.f32 $1.442695020e+00, v20;
	v46 =	vand.u32 $0x7FFFFFFF, v22  }
0xc8: {  	v57 =	vxor.u32 $0x80000000, v5;
	v28 =	vxor.u32 $0x80000000, v7;
	v48 =	vsub.f32 $0.0e+00, v46  }
0xc9: {  	v39 =	vxor.u32 $0x80000000, v8;
	(erf) = vpow2.f32 v45;
	v52 =	vand.u32 $0x7FFFFFFF, v23  }
0xca: {  	v47 =	vmul.f32 v17, v12;
	v17 =	vmul.f32 $1.442695020e+00, v48;
	v54 =	vsub.f32 $0.0e+00, v52  }
0xcb: {  	v50 =	vld [tilespmem:s29+$0x6C00];
	v43 =	vxor.u32 $0x80000000, v9;
	vm2 =	vgt.f32 v14, $5.000000000e-01;
	v49 =	vmul.f32 v18, v10  }
0xcc: {  	v53 =	vld [tilespmem:s29+$0xB400];
	v5 =	vsel vm1, v57, v5;
	v55 =	vpop (erf);
	(erf) = vpow2.f32 v17;
	v18 =	vmul.f32 $1.442695020e+00, v54  }
0xcd: {  	v7 =	vsel vm1, v28, v7;
	v8 =	vsel vm1, v39, v8;
	v15 =	vadd.f32 $9.998878830e-01, v49  }
0xce: {  	v9 =	vsel vm1, v43, v9;
	v14 =	vadd.f32 $3.046708700e-01, v47;
	(erf) = vpow2.f32 v18  }
0xcf: {  	v51 =	vnsel vm2, $0x0, v19;
	v56 =	vmul.f32 $4.106406870e-02, v55;
	v58 =	vmul.f32 v15, v10  }
0xd0: {  	v5 =	vmax.f32 v5, $0.0e+00;
	v61 =	vsel vm2, $0x3F800000, v2;
	v14 =	vmul.f32 v14, v12  }
0xd1: {  	v60 =	vmin.f32 v50, v53;
	v59 =	vadd.f32 $-1.560269450e-01, v56;
	v5 =	vadd.f32 v58, v5  }
0xd2: {  	v13 =	vadd.f32 v51, v13;
	vm13 =	vgt.f32 v60, $5.000000000e-01;
	v14 =	vadd.f32 $-4.963677530e-01, v14;
	v24 =	vpop (erf)  }
0xd3: {  	v63 =	vld [tilespmem:s30+$0x6C00];
	v62 =	vmul.f32 v59, v55;
	v5 =	vnsel vm13, $0x0, v5;
	v26 =	vmul.f32 $4.106406870e-02, v24  }
0xd4: {  	v25 =	vld [tilespmem:s30+$0xB400];
	v7 =	vmax.f32 v7, $0.0e+00;
	v14 =	vmul.f32 v14, v12;
	v5 =	vadd.f32 v5, v13  }
0xd5: {  	v8 =	vmax.f32 v8, $0.0e+00;
	v10 =	vadd.f32 $3.046708700e-01, v62;
	v13 =	vadd.f32 $-1.560269450e-01, v26;
	v29 =	vpop (erf)  }
0xd6: {  	v11 =	vadd.f32 v61, v11;
	v14 =	vadd.f32 $9.998878830e-01, v14;
	v31 =	vmul.f32 $4.106406870e-02, v29  }
0xd7: {  	v35 =	vld [tilespmem:s31+$0x6C00];
	v45 =	vmax.f32 v9, $0.0e+00;
	v10 =	vmul.f32 v10, v55;
	v13 =	vmul.f32 v13, v24;
	v33 =	vpop (erf)  }
0xd8: {  	v36 =	vld [tilespmem:s31+$0xB400];
	v30 =	vmul.f32 v14, v12;
	v32 =	vadd.f32 $-1.560269450e-01, v31;
	v34 =	vmul.f32 $4.106406870e-02, v33  }
0xd9: {  	v15 =	vmin.f32 v63, v25;
	v10 =	vadd.f32 $-4.963677530e-01, v10;
	v13 =	vadd.f32 $3.046708700e-01, v13  }
0xda: {  	v7 =	vadd.f32 v30, v7;
	v12 =	vmul.f32 v32, v29;
	v38 =	vadd.f32 $-1.560269450e-01, v34  }
0xdb: {  	v41 =	vld [tilespmem:s0+$0x6C00];
	vm14 =	vgt.f32 v15, $5.000000000e-01;
	v10 =	vmul.f32 v10, v55;
	v37 =	vmul.f32 v13, v24  }
0xdc: {  	v42 =	vld [tilespmem:s0+$0xB400];
	v7 =	vnsel vm14, $0x0, v7;
	v12 =	vadd.f32 $3.046708700e-01, v12;
	v13 =	vmul.f32 v38, v33  }
0xdd: {  	v44 =	vld [tilespmem:s1+$0x6C00];
	v40 =	vmin.f32 v35, v36;
	v5 =	vadd.f32 v7, v5;
	v7 =	vadd.f32 $-4.963677530e-01, v37  }
0xde: {  	v46 =	vld [tilespmem:s1+$0xB400];
	v10 =	vadd.f32 $9.998878830e-01, v10;
	v12 =	vmul.f32 v12, v29;
	v13 =	vadd.f32 $3.046708700e-01, v13  }
0xdf: {  	v47 =	vxor.u32 $0x80000000, v22;
	v27 =	vsel vm13, $0x3F800000, v2;
	v7 =	vmul.f32 v7, v24  }
0xe0: {  	v10 =	vmul.f32 v10, v55;
	v12 =	vadd.f32 $-4.963677530e-01, v12;
	v13 =	vmul.f32 v13, v33  }
0xe1: {  	vm3 =	vgt.f32 v40, $5.000000000e-01;
	v11 =	vadd.f32 v27, v11;
	v7 =	vadd.f32 $9.998878830e-01, v7  }
0xe2: {  	v8 =	vadd.f32 v10, v8;
	v12 =	vmul.f32 v12, v29;
	v13 =	vadd.f32 $-4.963677530e-01, v13  }
0xe3: {  	v9 =	vmin.f32 v44, v46;
	v10 =	vmin.f32 v41, v42;
	v7 =	vmul.f32 v7, v24  }
0xe4: {  	v48 =	vld [tilespmem:s2+$0x6C00];
	v8 =	vnsel vm3, $0x0, v8;
	v12 =	vadd.f32 $9.998878830e-01, v12;
	v13 =	vmul.f32 v13, v33  }
0xe5: {  	v49 =	vld [tilespmem:s2+$0xB400];
	vm4 =	vgt.f32 v10, $5.000000000e-01;
	v5 =	vadd.f32 v8, v5;
	v7 =	vadd.f32 v7, v45  }
0xe6: {  	v8 =	vsel vm1, v47, v22;
	v12 =	vmul.f32 v12, v29;
	v50 =	vadd.f32 $9.998878830e-01, v13  }
0xe7: {  	v51 =	vxor.u32 $0x80000000, v23;
	v8 =	vmax.f32 v8, $0.0e+00;
	v7 =	vnsel vm4, $0x0, v7  }
0xe8: {  	v8 =	vadd.f32 v12, v8;
	v12 =	vsel vm1, v51, v23;
	v10 =	vmul.f32 v50, v33  }
0xe9: {  	vm5 =	vgt.f32 v9, $5.000000000e-01;
	v5 =	vadd.f32 v7, v5;
	v52 =	vmax.f32 v12, $0.0e+00  }
0xea: {  	v53 =	vmin.f32 v48, v49;
	v8 =	vnsel vm5, $0x0, v8;
	v7 =	vadd.f32 v10, v52  }
0xeb: {  	vm15 =	vgt.f32 v53, $5.000000000e-01;
	v54 =	vsel vm14, $0x3F800000, v2;
	v5 =	vadd.f32 v8, v5  }
0xec: {  	v56 =	vadd.f32 v54, v11;
	v55 =	vsel vm0, $0x40000000, v3;
	v7 =	vnsel vm15, $0x0, v7  }
0xed: {  	v57 =	vsel vm3, $0x3F800000, v2;
	v4 =	vmul.f32 v4, v55;
	v5 =	vadd.f32 v7, v5  }
0xee: {  	v58 =	vsel vm1, $0x40000000, v3;
	v59 =	vadd.f32 v57, v56  }
0xef: {  	v4 =	vadd.f32 $0.0e+00, v4;
	v60 =	vsel vm4, $0x3F800000, v2;
	v5 =	vmul.f32 v5, v58  }
0xf0: {  	v61 =	vadd.f32 v60, v59  }
0xf1: {  	v62 =	vsel vm5, $0x3F800000, v2;
	v4 =	vadd.f32 v5, v4  }
0xf2: {  	v5 =	vadd.f32 v62, v61  }
0xf3: {  	v63 =	vsel vm15, $0x3F800000, v2;
	[tilespmem:$0xD880] =	vst v4  }
0xf4: {  	v4 =	vadd.f32 v63, v5;
	[hbm4b:s10+s3] =	stream.linear.scatter [tilespmem:s26], [sflag:$0x7], $0x80, $0x38;
	[tilespmem:$0xD900] =	vst v63  }
0xf5: {  	_ =	swait.ge [sflag:s14], $0x80  }
0xf6: {  	s28 =	sadd.s32 $0x1, s28;
	v4 =	vadd.f32 v4, v6;
	[sflag:s14] =	ssyncset.done $0x0  }
0xf7: {  	p0 =	sne.s32 s28, s12;
	[sflag:s14] =	ssyncadd.s32 $0xFFFFFF80  }
.Ltmp2:
0xf8: {  	[tilespmem:$0xD880] =	vst v4;
	(pc) =	sbr.rel @p0 .LBB2_1-.Ltmp2, $4  }
0xf9: {  	[hbm4b:s11+s3] =	stream.linear.scatter [tilespmem:s26], [sflag:$0x7], $0x80, $0x38;
	[tilespmem:$0xD900] =	vst v63  }
0xfa: {  	_ =	swait.ge [sflag:s14], $0x80  }
0xfb: {  	[sflag:s14] =	ssyncset.done $0x0  }
0xfc: {  	[sflag:s14] =	ssyncadd.s32 $0xFFFFFF80  }
0xfd: {  	_ =	sfence.sel $0x180000  }
0xfe: {  	[bflag:$0x0] =	sbarrier.arrive $0xFFFF  }
0xff: {  	_ =	strace $0x90000047  }
0x100: {  	s0 =	stileid.u32;
	[bflag:$0x2] =	sbarrier.arrive $0xFFFF  }
0x101: {  	p0 =	sne.s32 s0, $0x0;
	s0 =	rddreg [dreg:$0x5]  }
0x102: {  	s0 =	sadd.s32 @!p0 $0x100000, s0  }
0x103: {  	[sflag:s0] =	ssyncadd.tile.s32 @!p0 $0x1;
	_ =	shalt  }
.Lfunc_end2:
_tile_overlayer_lowered:
.L_overlay_start_2:
0x104: {  	(tag) =	ssettag $0x2  }
0x105: {  	s0 =	rddreg [dreg:$0x0];
	s2 =	stileid.u32  }
0x106: {  	s1 =	rddreg [dreg:$0x1];
	p0 =	sne.s32 s2, $0x0  }
0x107: {  	s3 =	rddreg [dreg:$0x2];
	[bflag:$0x3] =	sbarrier.arrive $0xFFFF;
	s2 =	simm.s32 @!p0 $0x1C07  }
0x108: {  	[timem:s3], [sflag:s2] =	dma.local @!p0 [hbm:s0], s1  }
0x109: {  	s0 =	simm.s32 @!p0 $0x7  }
0x10a: {  	_ =	swait.ge @!p0 [sflag:s0], s1  }
0x10b: {  	s1 =	ssub.s32 @!p0 $0x0, s1;
	[sflag:s0] =	ssyncset.done @!p0 $0x0  }
0x10c: {  	[sflag:s0] =	ssyncadd.s32 @!p0 s1  }
0x10d: {  	[bflag:$0x3] =	sbarrier.arrive $0xFFFF  }
0x10e: {  	_ =	shalt  }

</sc_bundles>
